<compile_context>
chip_gen: v7x
topology: tpu7x:2x2x1
jax: 0.10.2.dev20260603
libtpu: 0.0.44.dev20260713+nightly
codegen_flags: <defaults>
</compile_context>

<pallas_src>
import functools
import jax
import jax.numpy as jnp
from jax import lax
from jax.experimental import pallas as pl
from jax.experimental.pallas import tpu as pltpu
from jax.experimental.pallas import tpu_sc as plsc

_N_SC = 2048
_NW = 32
_CP = 128
_NBUF = 2
_GRP = _NBUF * _CP
_R = 64


def _sc_kernel(total):
    pairs = total // 2
    p_per_w = pairs // _NW
    n_grp = p_per_w // _GRP
    mesh = plsc.VectorSubcoreMesh(core_axis_name="c", subcore_axis_name="s")

    @functools.partial(
        pl.kernel,
        out_type=jax.ShapeDtypeStruct((pairs, 128), jnp.float32),
        mesh=mesh,
        compiler_params=pltpu.CompilerParams(needs_layout_passes=False),
        scratch_types=(
            [pltpu.VMEM((_GRP,), jnp.int32)] * 2
            + [pltpu.VMEM((_GRP,), jnp.int32)]
            + [pltpu.VMEM((_CP, 128), jnp.float32)] * _NBUF
            + [pltpu.SemaphoreType.DMA] * (2 * _NBUF)
        ),
    )
    def k(basis_hbm, outcome_hbm, t2_hbm, out_hbm,
          b_stage, o_stage, idx_v, r0, r1,
          g0, g1, s0, s1):
        rows = (r0, r1)
        gsem = (g0, g1)
        ssem = (s0, s1)
        wid = lax.axis_index("s") * 2 + lax.axis_index("c")
        base = wid * p_per_w

        def group(g, _):
            off = base + g * _GRP
            pltpu.sync_copy(basis_hbm.at[pl.ds(off, _GRP)], b_stage)
            pltpu.sync_copy(outcome_hbm.at[pl.ds(off, _GRP)], o_stage)

            def ids16(kk, carry):
                s = pl.ds(kk * 16, 16)
                bw = b_stage[s]
                ow = o_stage[s]
                id_e = (bw & 0xFFFF) * 2 + (ow & 0xFFFF)
                id_o = (bw >> 16) * 2 + (ow >> 16)
                idx_v[s] = id_e * 6 + id_o
                return carry
            lax.fori_loop(0, _GRP // 16, ids16, 0)

            gathers = [
                pltpu.async_copy(
                    t2_hbm.at[idx_v.at[pl.ds(kk * _CP, _CP)]],
                    rows[kk], gsem[kk])
                for kk in range(_NBUF)
            ]
            scatters = []
            for kk in range(_NBUF):
                gathers[kk].wait()
                scatters.append(pltpu.async_copy(
                    rows[kk], out_hbm.at[pl.ds(off + kk * _CP, _CP)],
                    ssem[kk]))
            for kk in range(_NBUF):
                scatters[kk].wait()
            return _

        lax.fori_loop(0, n_grp, group, 0)

    return k


def _sc_part(basis, outcome, table):
    n, c = basis.shape
    total = n * c
    t2 = jnp.concatenate(
        [jnp.repeat(table, 6, axis=0), jnp.tile(table, (6, 1))], axis=1)
    bw = lax.bitcast_convert_type(
        basis.reshape(total // 2, 2).astype(jnp.int16), jnp.int32)
    ow = lax.bitcast_convert_type(
        outcome.reshape(total // 2, 2).astype(jnp.int16), jnp.int32)
    out = _sc_kernel(total)(bw, ow, t2)
    return out.reshape(n, c, 64)


def _tc_body(basis_ref, outcome_ref, table_ref, out_ref):
    r, c = basis_ref.shape
    ids = basis_ref[...] * 2 + outcome_ref[...]
    tab = table_ref[...]
    tok = lax.broadcasted_iota(jnp.int32, (6, c), 0)
    for g in range(r):
        row = jnp.broadcast_to(ids[g:g + 1, :], (6, c))
        onehot = (row == tok).astype(jnp.float32)
        res = lax.dot_general(onehot, tab, (((0,), (0,)), ((), ())),
                              preferred_element_type=jnp.float32)
        out_ref[pl.ds(g * c, c), :] = res


def _tc_part(basis, outcome, table):
    n, c = basis.shape
    total = n * c
    grid = (n // _R,)
    out = pl.pallas_call(
        _tc_body,
        grid=grid,
        in_specs=[
            pl.BlockSpec((_R, c), lambda i: (i, 0)),
            pl.BlockSpec((_R, c), lambda i: (i, 0)),
            pl.BlockSpec((6, 64), lambda i: (0, 0)),
        ],
        out_specs=pl.BlockSpec((_R * c, 64), lambda i: (i, 0)),
        out_shape=jax.ShapeDtypeStruct((total, 64), jnp.float32),
    )(basis, outcome, table)
    return out.reshape(n, c, 64)


def kernel(basis, outcome, table):
    out_sc = _sc_part(basis[:_N_SC], outcome[:_N_SC], table)
    out_tc = _tc_part(basis[_N_SC:], outcome[_N_SC:], table)
    return jnp.concatenate([out_sc, out_tc], axis=0)

# --- scband reference (transcript-rebuilt; emitter-appended) ---
"""Pipeline reference for scband-measurement-embedding-84602265796614 (READ-ONLY COPY).

The authoritative reference and input builder live on the scoring server;
editing this copy changes nothing except your own understanding.
"""

import jax, jax.numpy as jnp
import numpy as np

EMBED_DIM = 64
NUM_TOKENS = 6

def setup_inputs(seed: int = 0) -> dict:
    key = jax.random.key(seed)
    k1, k2, k3 = jax.random.split(key, 3)
    basis = jax.random.randint(k1, (16384, 200), 0, 3, dtype=jnp.int64 if jax.config.read('jax_enable_x64') else jnp.int32)
    outcome = jax.random.randint(k2, (16384, 200), 0, 2, dtype=jnp.int64 if jax.config.read('jax_enable_x64') else jnp.int32)
    table = jax.random.normal(k3, (NUM_TOKENS, EMBED_DIM), dtype=jnp.float32)
    return {"basis": basis, "outcome": outcome, "table": table}

def reference(basis, outcome, table):
    token_ids = basis * 2 + outcome
    return jnp.take(table, token_ids, axis=0)

if __name__ == "__main__":
    import jax
    _d = setup_inputs()
    print(jax.jit(kernel)(*tuple(_d.values())))

</pallas_src>

<mosaic_0001>
#map = affine_map<(d0, d1) -> (0)>
#map1 = affine_map<(d0, d1) -> (0, 0)>
module attributes {stable_mosaic.version = 14 : i64} {
  func.func @k(%arg0: i32, %arg1: i32, %arg2: memref<204800xi32, #tpu.memory_space<hbm>>, %arg3: memref<204800xi32, #tpu.memory_space<hbm>>, %arg4: memref<36x128xf32, #tpu.memory_space<hbm>>, %arg5: memref<204800x128xf32, #tpu.memory_space<hbm>>, %arg6: memref<256xi32, #tpu.memory_space<vmem>>, %arg7: memref<256xi32, #tpu.memory_space<vmem>>, %arg8: memref<256xi32, #tpu.memory_space<vmem>>, %arg9: memref<128x128xf32, #tpu.memory_space<vmem>>, %arg10: memref<128x128xf32, #tpu.memory_space<vmem>>, %arg11: memref<!tpu.dma_semaphore, #tpu.memory_space<semaphore_mem>>, %arg12: memref<!tpu.dma_semaphore, #tpu.memory_space<semaphore_mem>>, %arg13: memref<!tpu.dma_semaphore, #tpu.memory_space<semaphore_mem>>, %arg14: memref<!tpu.dma_semaphore, #tpu.memory_space<semaphore_mem>>) attributes {dimension_semantics = [#tpu.dimension_semantics<core_parallel>, #tpu.dimension_semantics<subcore_parallel>], iteration_bounds = array<i64: 2, 16>, scalar_prefetch = 0 : i64, scratch_operands = 9 : i64, tpu.core_type = #tpu.core_type<sc_vector_subcore>, window_params = [{transform_indices = #map}, {transform_indices = #map}, {transform_indices = #map1}, {transform_indices = #map1}]} {
    %mul3A = arith.constant 2 : i32
    %mul3A_0 = arith.muli %arg1, %mul3A : i32
    %add3A = arith.addi %mul3A_0, %arg0 : i32
    %mul3A_1 = arith.constant 6400 : i32
    %mul3A_2 = arith.muli %add3A, %mul3A_1 : i32
    %scan3A = arith.constant 0 : i32
    %scan3A_3 = arith.constant 0 : i32
    %scan3A_4 = arith.constant 25 : i32
    %scan3A_5 = arith.addi %scan3A_3, %scan3A_4 : i32
    %scan3A_6 = arith.constant 1 : i32
    scf.for %scan3A_8 = %scan3A_3 to %scan3A_5 step %scan3A_6  : i32 {
      %mul3A_9 = arith.constant 256 : i32
      %mul3A_10 = arith.muli %scan3A_8, %mul3A_9 : i32
      %add3A_11 = arith.addi %mul3A_2, %mul3A_10 : i32
      "tpu.region"() ({
        %run_scoped3A = tpu.sem_alloc : memref<!tpu.dma_semaphore, #tpu.memory_space<semaphore_mem>>
        %dma_start3A_56 = tpu.memref_slice %arg2[%add3A_11] : memref<204800xi32, #tpu.memory_space<hbm>> -> memref<256xi32, #tpu.memory_space<hbm>>
        %dma_start3A_57 = tpu.memref_slice %arg2[%add3A_11] : memref<204800xi32, #tpu.memory_space<hbm>> -> memref<256xi32, #tpu.memory_space<hbm>>
        tpu.enqueue_dma source(%dma_start3A_57 : memref<256xi32, #tpu.memory_space<hbm>>) target(%arg6 : memref<256xi32, #tpu.memory_space<vmem>>) target_semaphore(%run_scoped3A : memref<!tpu.dma_semaphore, #tpu.memory_space<semaphore_mem>>)
        %dma_wait3A_58 = tpu.memref_slice %arg2[%add3A_11] : memref<204800xi32, #tpu.memory_space<hbm>> -> memref<256xi32, #tpu.memory_space<hbm>>
        %dma_wait3A_59 = tpu.memref_slice %arg2[%add3A_11] : memref<204800xi32, #tpu.memory_space<hbm>> -> memref<256xi32, #tpu.memory_space<hbm>>
        tpu.wait_dma2 semaphore(%run_scoped3A : memref<!tpu.dma_semaphore, #tpu.memory_space<semaphore_mem>>) src(%dma_wait3A_59 : memref<256xi32, #tpu.memory_space<hbm>>) dst(%arg6 : memref<256xi32, #tpu.memory_space<vmem>>)
        tpu.yield
      }) : () -> ()
      "tpu.region"() ({
        %run_scoped3A = tpu.sem_alloc : memref<!tpu.dma_semaphore, #tpu.memory_space<semaphore_mem>>
        %dma_start3A_56 = tpu.memref_slice %arg3[%add3A_11] : memref<204800xi32, #tpu.memory_space<hbm>> -> memref<256xi32, #tpu.memory_space<hbm>>
        %dma_start3A_57 = tpu.memref_slice %arg3[%add3A_11] : memref<204800xi32, #tpu.memory_space<hbm>> -> memref<256xi32, #tpu.memory_space<hbm>>
        tpu.enqueue_dma source(%dma_start3A_57 : memref<256xi32, #tpu.memory_space<hbm>>) target(%arg7 : memref<256xi32, #tpu.memory_space<vmem>>) target_semaphore(%run_scoped3A : memref<!tpu.dma_semaphore, #tpu.memory_space<semaphore_mem>>)
        %dma_wait3A_58 = tpu.memref_slice %arg3[%add3A_11] : memref<204800xi32, #tpu.memory_space<hbm>> -> memref<256xi32, #tpu.memory_space<hbm>>
        %dma_wait3A_59 = tpu.memref_slice %arg3[%add3A_11] : memref<204800xi32, #tpu.memory_space<hbm>> -> memref<256xi32, #tpu.memory_space<hbm>>
        tpu.wait_dma2 semaphore(%run_scoped3A : memref<!tpu.dma_semaphore, #tpu.memory_space<semaphore_mem>>) src(%dma_wait3A_59 : memref<256xi32, #tpu.memory_space<hbm>>) dst(%arg7 : memref<256xi32, #tpu.memory_space<vmem>>)
        tpu.yield
      }) : () -> ()
      %scan3A_12 = arith.constant 0 : i32
      %scan3A_13 = arith.constant 0 : i32
      %scan3A_14 = arith.constant 16 : i32
      %scan3A_15 = arith.addi %scan3A_13, %scan3A_14 : i32
      %scan3A_16 = arith.constant 1 : i32
      scf.for %scan3A_56 = %scan3A_13 to %scan3A_15 step %scan3A_16  : i32 {
        %mul3A_57 = arith.constant 16 : i32
        %mul3A_58 = arith.muli %scan3A_56, %mul3A_57 : i32
        %get3A = arith.index_cast %mul3A_58 : i32 to index
        %get3A_59 = tpu.vector_load %arg6[%get3A] {strides = array<i32>} : memref<256xi32, #tpu.memory_space<vmem>>, vector<16xi32>,
        %get3A_60 = arith.index_cast %mul3A_58 : i32 to index
        %get3A_61 = tpu.vector_load %arg7[%get3A_60] {strides = array<i32>} : memref<256xi32, #tpu.memory_space<vmem>>, vector<16xi32>,
        %and3A = arith.constant 65535 : i32
        %and3A_62 = vector.broadcast %and3A : i32 to vector<16xi32>
        %and3A_63 = arith.andi %get3A_59, %and3A_62 : vector<16xi32>
        %mul3A_64 = arith.constant 2 : i32
        %mul3A_65 = vector.broadcast %mul3A_64 : i32 to vector<16xi32>
        %mul3A_66 = arith.muli %and3A_63, %mul3A_65 : vector<16xi32>
        %and3A_67 = arith.constant 65535 : i32
        %and3A_68 = vector.broadcast %and3A_67 : i32 to vector<16xi32>
        %and3A_69 = arith.andi %get3A_61, %and3A_68 : vector<16xi32>
        %add3A_70 = arith.addi %mul3A_66, %and3A_69 : vector<16xi32>
        %shift_right_arithmetic3A = arith.constant 16 : i32
        %shift_right_arithmetic3A_71 = vector.broadcast %shift_right_arithmetic3A : i32 to vector<16xi32>
        %shift_right_arithmetic3A_72 = arith.shrsi %get3A_59, %shift_right_arithmetic3A_71 : vector<16xi32>
        %mul3A_73 = arith.constant 2 : i32
        %mul3A_74 = vector.broadcast %mul3A_73 : i32 to vector<16xi32>
        %mul3A_75 = arith.muli %shift_right_arithmetic3A_72, %mul3A_74 : vector<16xi32>
        %shift_right_arithmetic3A_76 = arith.constant 16 : i32
        %shift_right_arithmetic3A_77 = vector.broadcast %shift_right_arithmetic3A_76 : i32 to vector<16xi32>
        %shift_right_arithmetic3A_78 = arith.shrsi %get3A_61, %shift_right_arithmetic3A_77 : vector<16xi32>
        %add3A_79 = arith.addi %mul3A_75, %shift_right_arithmetic3A_78 : vector<16xi32>
        %mul3A_80 = arith.constant 6 : i32
        %mul3A_81 = vector.broadcast %mul3A_80 : i32 to vector<16xi32>
        %mul3A_82 = arith.muli %add3A_70, %mul3A_81 : vector<16xi32>
        %add3A_83 = arith.addi %mul3A_82, %add3A_79 : vector<16xi32>
        %swap3A = arith.index_cast %mul3A_58 : i32 to index
        %swap3A_84 = tpu.vector_load %arg8[%swap3A] {strides = array<i32>} : memref<256xi32, #tpu.memory_space<vmem>>, vector<16xi32>,
        tpu.vector_store %arg8[%swap3A], %add3A_83 {strides = array<i32>} : memref<256xi32, #tpu.memory_space<vmem>>, vector<16xi32>,
      }
      %scan3A_17 = arith.constant 16 : i32
      %dma_start3A = arith.constant 0 : i32
      %dma_start3A_18 = tpu.memref_slice %arg8[%dma_start3A] : memref<256xi32, #tpu.memory_space<vmem>> -> memref<128xi32, #tpu.memory_space<vmem>>
      %dma_start3A_19 = arith.constant 0 : i32
      %dma_start3A_20 = arith.constant 0 : i32
      %dma_start3A_21 = tpu.memref_slice %arg4[%dma_start3A_19, %dma_start3A_20] : memref<36x128xf32, #tpu.memory_space<hbm>> -> memref<36x128xf32, #tpu.memory_space<hbm>>
      tpu.enqueue_indirect_dma source(%dma_start3A_21 : memref<36x128xf32, #tpu.memory_space<hbm>>) target(%arg9 : memref<128x128xf32, #tpu.memory_space<vmem>>) offsets(%dma_start3A_18 : memref<128xi32, #tpu.memory_space<vmem>>) semaphore(%arg11 : memref<!tpu.dma_semaphore, #tpu.memory_space<semaphore_mem>>)
      %dma_start3A_22 = arith.constant 128 : i32
      %dma_start3A_23 = tpu.memref_slice %arg8[%dma_start3A_22] : memref<256xi32, #tpu.memory_space<vmem>> -> memref<128xi32, #tpu.memory_space<vmem>>
      %dma_start3A_24 = arith.constant 0 : i32
      %dma_start3A_25 = arith.constant 0 : i32
      %dma_start3A_26 = tpu.memref_slice %arg4[%dma_start3A_24, %dma_start3A_25] : memref<36x128xf32, #tpu.memory_space<hbm>> -> memref<36x128xf32, #tpu.memory_space<hbm>>
      tpu.enqueue_indirect_dma source(%dma_start3A_26 : memref<36x128xf32, #tpu.memory_space<hbm>>) target(%arg10 : memref<128x128xf32, #tpu.memory_space<vmem>>) offsets(%dma_start3A_23 : memref<128xi32, #tpu.memory_space<vmem>>) semaphore(%arg12 : memref<!tpu.dma_semaphore, #tpu.memory_space<semaphore_mem>>)
      %dma_wait3A = arith.constant 0 : i32
      %dma_wait3A_27 = tpu.memref_slice %arg8[%dma_wait3A] : memref<256xi32, #tpu.memory_space<vmem>> -> memref<128xi32, #tpu.memory_space<vmem>>
      %dma_wait3A_28 = arith.constant 0 : i32
      %dma_wait3A_29 = arith.constant 0 : i32
      %dma_wait3A_30 = tpu.memref_slice %arg4[%dma_wait3A_28, %dma_wait3A_29] : memref<36x128xf32, #tpu.memory_space<hbm>> -> memref<36x128xf32, #tpu.memory_space<hbm>>
      tpu.wait_indirect_dma semaphore(%arg11 : memref<!tpu.dma_semaphore, #tpu.memory_space<semaphore_mem>>) src(%dma_wait3A_30 : memref<36x128xf32, #tpu.memory_space<hbm>>) dst(%arg9 : memref<128x128xf32, #tpu.memory_space<vmem>>)
      %add3A_31 = arith.constant 0 : i32
      %add3A_32 = arith.addi %add3A_11, %add3A_31 : i32
      %dma_start3A_33 = arith.constant 0 : i32
      %dma_start3A_34 = tpu.memref_slice %arg5[%add3A_32, %dma_start3A_33] : memref<204800x128xf32, #tpu.memory_space<hbm>> -> memref<128x128xf32, #tpu.memory_space<hbm>>
      %dma_start3A_35 = arith.constant 0 : i32
      %dma_start3A_36 = tpu.memref_slice %arg5[%add3A_32, %dma_start3A_35] : memref<204800x128xf32, #tpu.memory_space<hbm>> -> memref<128x128xf32, #tpu.memory_space<hbm>>
      tpu.enqueue_dma source(%arg9 : memref<128x128xf32, #tpu.memory_space<vmem>>) target(%dma_start3A_36 : memref<128x128xf32, #tpu.memory_space<hbm>>) target_semaphore(%arg13 : memref<!tpu.dma_semaphore, #tpu.memory_space<semaphore_mem>>)
      %dma_wait3A_37 = arith.constant 128 : i32
      %dma_wait3A_38 = tpu.memref_slice %arg8[%dma_wait3A_37] : memref<256xi32, #tpu.memory_space<vmem>> -> memref<128xi32, #tpu.memory_space<vmem>>
      %dma_wait3A_39 = arith.constant 0 : i32
      %dma_wait3A_40 = arith.constant 0 : i32
      %dma_wait3A_41 = tpu.memref_slice %arg4[%dma_wait3A_39, %dma_wait3A_40] : memref<36x128xf32, #tpu.memory_space<hbm>> -> memref<36x128xf32, #tpu.memory_space<hbm>>
      tpu.wait_indirect_dma semaphore(%arg12 : memref<!tpu.dma_semaphore, #tpu.memory_space<semaphore_mem>>) src(%dma_wait3A_41 : memref<36x128xf32, #tpu.memory_space<hbm>>) dst(%arg10 : memref<128x128xf32, #tpu.memory_space<vmem>>)
      %add3A_42 = arith.constant 128 : i32
      %add3A_43 = arith.addi %add3A_11, %add3A_42 : i32
      %dma_start3A_44 = arith.constant 0 : i32
      %dma_start3A_45 = tpu.memref_slice %arg5[%add3A_43, %dma_start3A_44] : memref<204800x128xf32, #tpu.memory_space<hbm>> -> memref<128x128xf32, #tpu.memory_space<hbm>>
      %dma_start3A_46 = arith.constant 0 : i32
      %dma_start3A_47 = tpu.memref_slice %arg5[%add3A_43, %dma_start3A_46] : memref<204800x128xf32, #tpu.memory_space<hbm>> -> memref<128x128xf32, #tpu.memory_space<hbm>>
      tpu.enqueue_dma source(%arg10 : memref<128x128xf32, #tpu.memory_space<vmem>>) target(%dma_start3A_47 : memref<128x128xf32, #tpu.memory_space<hbm>>) target_semaphore(%arg14 : memref<!tpu.dma_semaphore, #tpu.memory_space<semaphore_mem>>)
      %dma_wait3A_48 = arith.constant 0 : i32
      %dma_wait3A_49 = tpu.memref_slice %arg5[%add3A_32, %dma_wait3A_48] : memref<204800x128xf32, #tpu.memory_space<hbm>> -> memref<128x128xf32, #tpu.memory_space<hbm>>
      %dma_wait3A_50 = arith.constant 0 : i32
      %dma_wait3A_51 = tpu.memref_slice %arg5[%add3A_32, %dma_wait3A_50] : memref<204800x128xf32, #tpu.memory_space<hbm>> -> memref<128x128xf32, #tpu.memory_space<hbm>>
      tpu.wait_dma2 semaphore(%arg13 : memref<!tpu.dma_semaphore, #tpu.memory_space<semaphore_mem>>) src(%arg9 : memref<128x128xf32, #tpu.memory_space<vmem>>) dst(%dma_wait3A_51 : memref<128x128xf32, #tpu.memory_space<hbm>>)
      %dma_wait3A_52 = arith.constant 0 : i32
      %dma_wait3A_53 = tpu.memref_slice %arg5[%add3A_43, %dma_wait3A_52] : memref<204800x128xf32, #tpu.memory_space<hbm>> -> memref<128x128xf32, #tpu.memory_space<hbm>>
      %dma_wait3A_54 = arith.constant 0 : i32
      %dma_wait3A_55 = tpu.memref_slice %arg5[%add3A_43, %dma_wait3A_54] : memref<204800x128xf32, #tpu.memory_space<hbm>> -> memref<128x128xf32, #tpu.memory_space<hbm>>
      tpu.wait_dma2 semaphore(%arg14 : memref<!tpu.dma_semaphore, #tpu.memory_space<semaphore_mem>>) src(%arg10 : memref<128x128xf32, #tpu.memory_space<vmem>>) dst(%dma_wait3A_55 : memref<128x128xf32, #tpu.memory_space<hbm>>)
    }
    %scan3A_7 = arith.constant 25 : i32
    return
  }
}

module attributes {stable_mosaic.version = 14 : i64} {
  func.func @_tc_body(%arg0: i32, %arg1: memref<64x200xi32, #tpu.memory_space<vmem>>, %arg2: memref<64x200xi32, #tpu.memory_space<vmem>>, %arg3: memref<6x64xf32, #tpu.memory_space<vmem>>, %arg4: memref<12800x64xf32, #tpu.memory_space<vmem>>) attributes {dimension_semantics = [#tpu.dimension_semantics<arbitrary>], iteration_bounds = array<i64: 224>, scalar_prefetch = 0 : i64, scratch_operands = 0 : i64, tpu.core_type = #tpu.core_type<tc>, window_params = [{transform_indices = @transform_0, window_bounds = array<i64: 64, 200>}, {transform_indices = @transform_1, window_bounds = array<i64: 64, 200>}, {pipeline_mode = #tpu.pipeline_mode<synchronous>, transform_indices = @transform_2, window_bounds = array<i64: 6, 64>}, {transform_indices = @transform_3, window_bounds = array<i64: 12800, 64>}]} {
    %get3A = arith.constant 0 : index
    %get3A_0 = arith.constant 0 : index
    %get3A_1 = vector.load %arg1[%get3A, %get3A_0] : memref<64x200xi32, #tpu.memory_space<vmem>>, vector<64x200xi32>
    %mul3A = arith.constant 2 : i32
    %mul3A_2 = vector.broadcast %mul3A : i32 to vector<64x200xi32>
    %mul3A_3 = arith.muli %get3A_1, %mul3A_2 : vector<64x200xi32>
    %get3A_4 = arith.constant 0 : index
    %get3A_5 = arith.constant 0 : index
    %get3A_6 = vector.load %arg2[%get3A_4, %get3A_5] : memref<64x200xi32, #tpu.memory_space<vmem>>, vector<64x200xi32>
    %add3A = arith.addi %mul3A_3, %get3A_6 : vector<64x200xi32>
    %get3A_7 = arith.constant 0 : index
    %get3A_8 = arith.constant 0 : index
    %get3A_9 = vector.load %arg3[%get3A_7, %get3A_8] : memref<6x64xf32, #tpu.memory_space<vmem>>, vector<6x64xf32>
    %iota3A = tpu.iota {dimensions = array<i32: 0>} : vector<6x200xi32>
    %slice3A = vector.extract_strided_slice %add3A {offsets = [0, 0], sizes = [1, 200], strides = [1, 1]} : vector<64x200xi32> to vector<1x200xi32>
    %broadcast_in_dim3A = vector.shape_cast %slice3A : vector<1x200xi32> to vector<1x200xi32>
    %broadcast_in_dim3A_10 = vector.broadcast %broadcast_in_dim3A : vector<1x200xi32> to vector<6x200xi32>
    %eq3A = arith.cmpi eq, %broadcast_in_dim3A_10, %iota3A : vector<6x200xi32>
    %convert_element_type3A = arith.extui %eq3A : vector<6x200xi1> to vector<6x200xi32>
    %convert_element_type3A_11 = arith.sitofp %convert_element_type3A : vector<6x200xi32> to vector<6x200xf32>
    %dot_general3A = arith.constant dense<0.000000e+00> : vector<200x64xf32>
    %dot_general3A_12 = tpu.matmul %convert_element_type3A_11, %get3A_9, %dot_general3A {dimension_numbers = #tpu.dot_dimension_numbers<[0], [0], [1], [1], [0, 1, 1, 1], [], []>, transpose_lhs_hint = false} : vector<6x200xf32>, vector<6x64xf32>, vector<200x64xf32> -> vector<200x64xf32>
    %swap3A = arith.constant 0 : index
    %swap3A_13 = arith.constant 0 : index
    %swap3A_14 = vector.load %arg4[%swap3A, %swap3A_13] : memref<12800x64xf32, #tpu.memory_space<vmem>>, vector<200x64xf32>
    tpu.vector_store %arg4[%swap3A, %swap3A_13], %dot_general3A_12 {strides = array<i32>} : memref<12800x64xf32, #tpu.memory_space<vmem>>, vector<200x64xf32>,
    %slice3A_15 = vector.extract_strided_slice %add3A {offsets = [1, 0], sizes = [1, 200], strides = [1, 1]} : vector<64x200xi32> to vector<1x200xi32>
    %broadcast_in_dim3A_16 = vector.shape_cast %slice3A_15 : vector<1x200xi32> to vector<1x200xi32>
    %broadcast_in_dim3A_17 = vector.broadcast %broadcast_in_dim3A_16 : vector<1x200xi32> to vector<6x200xi32>
    %eq3A_18 = arith.cmpi eq, %broadcast_in_dim3A_17, %iota3A : vector<6x200xi32>
    %convert_element_type3A_19 = arith.extui %eq3A_18 : vector<6x200xi1> to vector<6x200xi32>
    %convert_element_type3A_20 = arith.sitofp %convert_element_type3A_19 : vector<6x200xi32> to vector<6x200xf32>
    %dot_general3A_21 = arith.constant dense<0.000000e+00> : vector<200x64xf32>
    %dot_general3A_22 = tpu.matmul %convert_element_type3A_20, %get3A_9, %dot_general3A_21 {dimension_numbers = #tpu.dot_dimension_numbers<[0], [0], [1], [1], [0, 1, 1, 1], [], []>, transpose_lhs_hint = false} : vector<6x200xf32>, vector<6x64xf32>, vector<200x64xf32> -> vector<200x64xf32>
    %swap3A_23 = arith.constant 200 : index
    %swap3A_24 = arith.constant 0 : index
    %swap3A_25 = vector.load %arg4[%swap3A_23, %swap3A_24] : memref<12800x64xf32, #tpu.memory_space<vmem>>, vector<200x64xf32>
    tpu.vector_store %arg4[%swap3A_23, %swap3A_24], %dot_general3A_22 {strides = array<i32>} : memref<12800x64xf32, #tpu.memory_space<vmem>>, vector<200x64xf32>,
    %slice3A_26 = vector.extract_strided_slice %add3A {offsets = [2, 0], sizes = [1, 200], strides = [1, 1]} : vector<64x200xi32> to vector<1x200xi32>
    %broadcast_in_dim3A_27 = vector.shape_cast %slice3A_26 : vector<1x200xi32> to vector<1x200xi32>
    %broadcast_in_dim3A_28 = vector.broadcast %broadcast_in_dim3A_27 : vector<1x200xi32> to vector<6x200xi32>
    %eq3A_29 = arith.cmpi eq, %broadcast_in_dim3A_28, %iota3A : vector<6x200xi32>
    %convert_element_type3A_30 = arith.extui %eq3A_29 : vector<6x200xi1> to vector<6x200xi32>
    %convert_element_type3A_31 = arith.sitofp %convert_element_type3A_30 : vector<6x200xi32> to vector<6x200xf32>
    %dot_general3A_32 = arith.constant dense<0.000000e+00> : vector<200x64xf32>
    %dot_general3A_33 = tpu.matmul %convert_element_type3A_31, %get3A_9, %dot_general3A_32 {dimension_numbers = #tpu.dot_dimension_numbers<[0], [0], [1], [1], [0, 1, 1, 1], [], []>, transpose_lhs_hint = false} : vector<6x200xf32>, vector<6x64xf32>, vector<200x64xf32> -> vector<200x64xf32>
    %swap3A_34 = arith.constant 400 : index
    %swap3A_35 = arith.constant 0 : index
    %swap3A_36 = vector.load %arg4[%swap3A_34, %swap3A_35] : memref<12800x64xf32, #tpu.memory_space<vmem>>, vector<200x64xf32>
    tpu.vector_store %arg4[%swap3A_34, %swap3A_35], %dot_general3A_33 {strides = array<i32>} : memref<12800x64xf32, #tpu.memory_space<vmem>>, vector<200x64xf32>,
    %slice3A_37 = vector.extract_strided_slice %add3A {offsets = [3, 0], sizes = [1, 200], strides = [1, 1]} : vector<64x200xi32> to vector<1x200xi32>
    %broadcast_in_dim3A_38 = vector.shape_cast %slice3A_37 : vector<1x200xi32> to vector<1x200xi32>
    %broadcast_in_dim3A_39 = vector.broadcast %broadcast_in_dim3A_38 : vector<1x200xi32> to vector<6x200xi32>
    %eq3A_40 = arith.cmpi eq, %broadcast_in_dim3A_39, %iota3A : vector<6x200xi32>
    %convert_element_type3A_41 = arith.extui %eq3A_40 : vector<6x200xi1> to vector<6x200xi32>
    %convert_element_type3A_42 = arith.sitofp %convert_element_type3A_41 : vector<6x200xi32> to vector<6x200xf32>
    %dot_general3A_43 = arith.constant dense<0.000000e+00> : vector<200x64xf32>
    %dot_general3A_44 = tpu.matmul %convert_element_type3A_42, %get3A_9, %dot_general3A_43 {dimension_numbers = #tpu.dot_dimension_numbers<[0], [0], [1], [1], [0, 1, 1, 1], [], []>, transpose_lhs_hint = false} : vector<6x200xf32>, vector<6x64xf32>, vector<200x64xf32> -> vector<200x64xf32>
    %swap3A_45 = arith.constant 600 : index
    %swap3A_46 = arith.constant 0 : index
    %swap3A_47 = vector.load %arg4[%swap3A_45, %swap3A_46] : memref<12800x64xf32, #tpu.memory_space<vmem>>, vector<200x64xf32>
    tpu.vector_store %arg4[%swap3A_45, %swap3A_46], %dot_general3A_44 {strides = array<i32>} : memref<12800x64xf32, #tpu.memory_space<vmem>>, vector<200x64xf32>,
    %slice3A_48 = vector.extract_strided_slice %add3A {offsets = [4, 0], sizes = [1, 200], strides = [1, 1]} : vector<64x200xi32> to vector<1x200xi32>
    %broadcast_in_dim3A_49 = vector.shape_cast %slice3A_48 : vector<1x200xi32> to vector<1x200xi32>
    %broadcast_in_dim3A_50 = vector.broadcast %broadcast_in_dim3A_49 : vector<1x200xi32> to vector<6x200xi32>
    %eq3A_51 = arith.cmpi eq, %broadcast_in_dim3A_50, %iota3A : vector<6x200xi32>
    %convert_element_type3A_52 = arith.extui %eq3A_51 : vector<6x200xi1> to vector<6x200xi32>
    %convert_element_type3A_53 = arith.sitofp %convert_element_type3A_52 : vector<6x200xi32> to vector<6x200xf32>
    %dot_general3A_54 = arith.constant dense<0.000000e+00> : vector<200x64xf32>
    %dot_general3A_55 = tpu.matmul %convert_element_type3A_53, %get3A_9, %dot_general3A_54 {dimension_numbers = #tpu.dot_dimension_numbers<[0], [0], [1], [1], [0, 1, 1, 1], [], []>, transpose_lhs_hint = false} : vector<6x200xf32>, vector<6x64xf32>, vector<200x64xf32> -> vector<200x64xf32>
    %swap3A_56 = arith.constant 800 : index
    %swap3A_57 = arith.constant 0 : index
    %swap3A_58 = vector.load %arg4[%swap3A_56, %swap3A_57] : memref<12800x64xf32, #tpu.memory_space<vmem>>, vector<200x64xf32>
    tpu.vector_store %arg4[%swap3A_56, %swap3A_57], %dot_general3A_55 {strides = array<i32>} : memref<12800x64xf32, #tpu.memory_space<vmem>>, vector<200x64xf32>,
    %slice3A_59 = vector.extract_strided_slice %add3A {offsets = [5, 0], sizes = [1, 200], strides = [1, 1]} : vector<64x200xi32> to vector<1x200xi32>
    %broadcast_in_dim3A_60 = vector.shape_cast %slice3A_59 : vector<1x200xi32> to vector<1x200xi32>
    %broadcast_in_dim3A_61 = vector.broadcast %broadcast_in_dim3A_60 : vector<1x200xi32> to vector<6x200xi32>
    %eq3A_62 = arith.cmpi eq, %broadcast_in_dim3A_61, %iota3A : vector<6x200xi32>
    %convert_element_type3A_63 = arith.extui %eq3A_62 : vector<6x200xi1> to vector<6x200xi32>
    %convert_element_type3A_64 = arith.sitofp %convert_element_type3A_63 : vector<6x200xi32> to vector<6x200xf32>
    %dot_general3A_65 = arith.constant dense<0.000000e+00> : vector<200x64xf32>
    %dot_general3A_66 = tpu.matmul %convert_element_type3A_64, %get3A_9, %dot_general3A_65 {dimension_numbers = #tpu.dot_dimension_numbers<[0], [0], [1], [1], [0, 1, 1, 1], [], []>, transpose_lhs_hint = false} : vector<6x200xf32>, vector<6x64xf32>, vector<200x64xf32> -> vector<200x64xf32>
    %swap3A_67 = arith.constant 1000 : index
    %swap3A_68 = arith.constant 0 : index
    %swap3A_69 = vector.load %arg4[%swap3A_67, %swap3A_68] : memref<12800x64xf32, #tpu.memory_space<vmem>>, vector<200x64xf32>
    tpu.vector_store %arg4[%swap3A_67, %swap3A_68], %dot_general3A_66 {strides = array<i32>} : memref<12800x64xf32, #tpu.memory_space<vmem>>, vector<200x64xf32>,
    %slice3A_70 = vector.extract_strided_slice %add3A {offsets = [6, 0], sizes = [1, 200], strides = [1, 1]} : vector<64x200xi32> to vector<1x200xi32>
    %broadcast_in_dim3A_71 = vector.shape_cast %slice3A_70 : vector<1x200xi32> to vector<1x200xi32>
    %broadcast_in_dim3A_72 = vector.broadcast %broadcast_in_dim3A_71 : vector<1x200xi32> to vector<6x200xi32>
    %eq3A_73 = arith.cmpi eq, %broadcast_in_dim3A_72, %iota3A : vector<6x200xi32>
    %convert_element_type3A_74 = arith.extui %eq3A_73 : vector<6x200xi1> to vector<6x200xi32>
    %convert_element_type3A_75 = arith.sitofp %convert_element_type3A_74 : vector<6x200xi32> to vector<6x200xf32>
    %dot_general3A_76 = arith.constant dense<0.000000e+00> : vector<200x64xf32>
    %dot_general3A_77 = tpu.matmul %convert_element_type3A_75, %get3A_9, %dot_general3A_76 {dimension_numbers = #tpu.dot_dimension_numbers<[0], [0], [1], [1], [0, 1, 1, 1], [], []>, transpose_lhs_hint = false} : vector<6x200xf32>, vector<6x64xf32>, vector<200x64xf32> -> vector<200x64xf32>
    %swap3A_78 = arith.constant 1200 : index
    %swap3A_79 = arith.constant 0 : index
    %swap3A_80 = vector.load %arg4[%swap3A_78, %swap3A_79] : memref<12800x64xf32, #tpu.memory_space<vmem>>, vector<200x64xf32>
    tpu.vector_store %arg4[%swap3A_78, %swap3A_79], %dot_general3A_77 {strides = array<i32>} : memref<12800x64xf32, #tpu.memory_space<vmem>>, vector<200x64xf32>,
    %slice3A_81 = vector.extract_strided_slice %add3A {offsets = [7, 0], sizes = [1, 200], strides = [1, 1]} : vector<64x200xi32> to vector<1x200xi32>
    %broadcast_in_dim3A_82 = vector.shape_cast %slice3A_81 : vector<1x200xi32> to vector<1x200xi32>
    %broadcast_in_dim3A_83 = vector.broadcast %broadcast_in_dim3A_82 : vector<1x200xi32> to vector<6x200xi32>
    %eq3A_84 = arith.cmpi eq, %broadcast_in_dim3A_83, %iota3A : vector<6x200xi32>
    %convert_element_type3A_85 = arith.extui %eq3A_84 : vector<6x200xi1> to vector<6x200xi32>
    %convert_element_type3A_86 = arith.sitofp %convert_element_type3A_85 : vector<6x200xi32> to vector<6x200xf32>
    %dot_general3A_87 = arith.constant dense<0.000000e+00> : vector<200x64xf32>
    %dot_general3A_88 = tpu.matmul %convert_element_type3A_86, %get3A_9, %dot_general3A_87 {dimension_numbers = #tpu.dot_dimension_numbers<[0], [0], [1], [1], [0, 1, 1, 1], [], []>, transpose_lhs_hint = false} : vector<6x200xf32>, vector<6x64xf32>, vector<200x64xf32> -> vector<200x64xf32>
    %swap3A_89 = arith.constant 1400 : index
    %swap3A_90 = arith.constant 0 : index
    %swap3A_91 = vector.load %arg4[%swap3A_89, %swap3A_90] : memref<12800x64xf32, #tpu.memory_space<vmem>>, vector<200x64xf32>
    tpu.vector_store %arg4[%swap3A_89, %swap3A_90], %dot_general3A_88 {strides = array<i32>} : memref<12800x64xf32, #tpu.memory_space<vmem>>, vector<200x64xf32>,
    %slice3A_92 = vector.extract_strided_slice %add3A {offsets = [8, 0], sizes = [1, 200], strides = [1, 1]} : vector<64x200xi32> to vector<1x200xi32>
    %broadcast_in_dim3A_93 = vector.shape_cast %slice3A_92 : vector<1x200xi32> to vector<1x200xi32>
    %broadcast_in_dim3A_94 = vector.broadcast %broadcast_in_dim3A_93 : vector<1x200xi32> to vector<6x200xi32>
    %eq3A_95 = arith.cmpi eq, %broadcast_in_dim3A_94, %iota3A : vector<6x200xi32>
    %convert_element_type3A_96 = arith.extui %eq3A_95 : vector<6x200xi1> to vector<6x200xi32>
    %convert_element_type3A_97 = arith.sitofp %convert_element_type3A_96 : vector<6x200xi32> to vector<6x200xf32>
    %dot_general3A_98 = arith.constant dense<0.000000e+00> : vector<200x64xf32>
    %dot_general3A_99 = tpu.matmul %convert_element_type3A_97, %get3A_9, %dot_general3A_98 {dimension_numbers = #tpu.dot_dimension_numbers<[0], [0], [1], [1], [0, 1, 1, 1], [], []>, transpose_lhs_hint = false} : vector<6x200xf32>, vector<6x64xf32>, vector<200x64xf32> -> vector<200x64xf32>
    %swap3A_100 = arith.constant 1600 : index
    %swap3A_101 = arith.constant 0 : index
    %swap3A_102 = vector.load %arg4[%swap3A_100, %swap3A_101] : memref<12800x64xf32, #tpu.memory_space<vmem>>, vector<200x64xf32>
    tpu.vector_store %arg4[%swap3A_100, %swap3A_101], %dot_general3A_99 {strides = array<i32>} : memref<12800x64xf32, #tpu.memory_space<vmem>>, vector<200x64xf32>,
    %slice3A_103 = vector.extract_strided_slice %add3A {offsets = [9, 0], sizes = [1, 200], strides = [1, 1]} : vector<64x200xi32> to vector<1x200xi32>
    %broadcast_in_dim3A_104 = vector.shape_cast %slice3A_103 : vector<1x200xi32> to vector<1x200xi32>
    %broadcast_in_dim3A_105 = vector.broadcast %broadcast_in_dim3A_104 : vector<1x200xi32> to vector<6x200xi32>
    %eq3A_106 = arith.cmpi eq, %broadcast_in_dim3A_105, %iota3A : vector<6x200xi32>
    %convert_element_type3A_107 = arith.extui %eq3A_106 : vector<6x200xi1> to vector<6x200xi32>
    %convert_element_type3A_108 = arith.sitofp %convert_element_type3A_107 : vector<6x200xi32> to vector<6x200xf32>
    %dot_general3A_109 = arith.constant dense<0.000000e+00> : vector<200x64xf32>
    %dot_general3A_110 = tpu.matmul %convert_element_type3A_108, %get3A_9, %dot_general3A_109 {dimension_numbers = #tpu.dot_dimension_numbers<[0], [0], [1], [1], [0, 1, 1, 1], [], []>, transpose_lhs_hint = false} : vector<6x200xf32>, vector<6x64xf32>, vector<200x64xf32> -> vector<200x64xf32>
    %swap3A_111 = arith.constant 1800 : index
    %swap3A_112 = arith.constant 0 : index
    %swap3A_113 = vector.load %arg4[%swap3A_111, %swap3A_112] : memref<12800x64xf32, #tpu.memory_space<vmem>>, vector<200x64xf32>
    tpu.vector_store %arg4[%swap3A_111, %swap3A_112], %dot_general3A_110 {strides = array<i32>} : memref<12800x64xf32, #tpu.memory_space<vmem>>, vector<200x64xf32>,
    %slice3A_114 = vector.extract_strided_slice %add3A {offsets = [10, 0], sizes = [1, 200], strides = [1, 1]} : vector<64x200xi32> to vector<1x200xi32>
    %broadcast_in_dim3A_115 = vector.shape_cast %slice3A_114 : vector<1x200xi32> to vector<1x200xi32>
    %broadcast_in_dim3A_116 = vector.broadcast %broadcast_in_dim3A_115 : vector<1x200xi32> to vector<6x200xi32>
    %eq3A_117 = arith.cmpi eq, %broadcast_in_dim3A_116, %iota3A : vector<6x200xi32>
    %convert_element_type3A_118 = arith.extui %eq3A_117 : vector<6x200xi1> to vector<6x200xi32>
    %convert_element_type3A_119 = arith.sitofp %convert_element_type3A_118 : vector<6x200xi32> to vector<6x200xf32>
    %dot_general3A_120 = arith.constant dense<0.000000e+00> : vector<200x64xf32>
    %dot_general3A_121 = tpu.matmul %convert_element_type3A_119, %get3A_9, %dot_general3A_120 {dimension_numbers = #tpu.dot_dimension_numbers<[0], [0], [1], [1], [0, 1, 1, 1], [], []>, transpose_lhs_hint = false} : vector<6x200xf32>, vector<6x64xf32>, vector<200x64xf32> -> vector<200x64xf32>
    %swap3A_122 = arith.constant 2000 : index
    %swap3A_123 = arith.constant 0 : index
    %swap3A_124 = vector.load %arg4[%swap3A_122, %swap3A_123] : memref<12800x64xf32, #tpu.memory_space<vmem>>, vector<200x64xf32>
    tpu.vector_store %arg4[%swap3A_122, %swap3A_123], %dot_general3A_121 {strides = array<i32>} : memref<12800x64xf32, #tpu.memory_space<vmem>>, vector<200x64xf32>,
    %slice3A_125 = vector.extract_strided_slice %add3A {offsets = [11, 0], sizes = [1, 200], strides = [1, 1]} : vector<64x200xi32> to vector<1x200xi32>
    %broadcast_in_dim3A_126 = vector.shape_cast %slice3A_125 : vector<1x200xi32> to vector<1x200xi32>
    %broadcast_in_dim3A_127 = vector.broadcast %broadcast_in_dim3A_126 : vector<1x200xi32> to vector<6x200xi32>
    %eq3A_128 = arith.cmpi eq, %broadcast_in_dim3A_127, %iota3A : vector<6x200xi32>
    %convert_element_type3A_129 = arith.extui %eq3A_128 : vector<6x200xi1> to vector<6x200xi32>
    %convert_element_type3A_130 = arith.sitofp %convert_element_type3A_129 : vector<6x200xi32> to vector<6x200xf32>
    %dot_general3A_131 = arith.constant dense<0.000000e+00> : vector<200x64xf32>
    %dot_general3A_132 = tpu.matmul %convert_element_type3A_130, %get3A_9, %dot_general3A_131 {dimension_numbers = #tpu.dot_dimension_numbers<[0], [0], [1], [1], [0, 1, 1, 1], [], []>, transpose_lhs_hint = false} : vector<6x200xf32>, vector<6x64xf32>, vector<200x64xf32> -> vector<200x64xf32>
    %swap3A_133 = arith.constant 2200 : index
    %swap3A_134 = arith.constant 0 : index
    %swap3A_135 = vector.load %arg4[%swap3A_133, %swap3A_134] : memref<12800x64xf32, #tpu.memory_space<vmem>>, vector<200x64xf32>
    tpu.vector_store %arg4[%swap3A_133, %swap3A_134], %dot_general3A_132 {strides = array<i32>} : memref<12800x64xf32, #tpu.memory_space<vmem>>, vector<200x64xf32>,
    %slice3A_136 = vector.extract_strided_slice %add3A {offsets = [12, 0], sizes = [1, 200], strides = [1, 1]} : vector<64x200xi32> to vector<1x200xi32>
    %broadcast_in_dim3A_137 = vector.shape_cast %slice3A_136 : vector<1x200xi32> to vector<1x200xi32>
    %broadcast_in_dim3A_138 = vector.broadcast %broadcast_in_dim3A_137 : vector<1x200xi32> to vector<6x200xi32>
    %eq3A_139 = arith.cmpi eq, %broadcast_in_dim3A_138, %iota3A : vector<6x200xi32>
    %convert_element_type3A_140 = arith.extui %eq3A_139 : vector<6x200xi1> to vector<6x200xi32>
    %convert_element_type3A_141 = arith.sitofp %convert_element_type3A_140 : vector<6x200xi32> to vector<6x200xf32>
    %dot_general3A_142 = arith.constant dense<0.000000e+00> : vector<200x64xf32>
    %dot_general3A_143 = tpu.matmul %convert_element_type3A_141, %get3A_9, %dot_general3A_142 {dimension_numbers = #tpu.dot_dimension_numbers<[0], [0], [1], [1], [0, 1, 1, 1], [], []>, transpose_lhs_hint = false} : vector<6x200xf32>, vector<6x64xf32>, vector<200x64xf32> -> vector<200x64xf32>
    %swap3A_144 = arith.constant 2400 : index
    %swap3A_145 = arith.constant 0 : index
    %swap3A_146 = vector.load %arg4[%swap3A_144, %swap3A_145] : memref<12800x64xf32, #tpu.memory_space<vmem>>, vector<200x64xf32>
    tpu.vector_store %arg4[%swap3A_144, %swap3A_145], %dot_general3A_143 {strides = array<i32>} : memref<12800x64xf32, #tpu.memory_space<vmem>>, vector<200x64xf32>,
    %slice3A_147 = vector.extract_strided_slice %add3A {offsets = [13, 0], sizes = [1, 200], strides = [1, 1]} : vector<64x200xi32> to vector<1x200xi32>
    %broadcast_in_dim3A_148 = vector.shape_cast %slice3A_147 : vector<1x200xi32> to vector<1x200xi32>
    %broadcast_in_dim3A_149 = vector.broadcast %broadcast_in_dim3A_148 : vector<1x200xi32> to vector<6x200xi32>
    %eq3A_150 = arith.cmpi eq, %broadcast_in_dim3A_149, %iota3A : vector<6x200xi32>
    %convert_element_type3A_151 = arith.extui %eq3A_150 : vector<6x200xi1> to vector<6x200xi32>
    %convert_element_type3A_152 = arith.sitofp %convert_element_type3A_151 : vector<6x200xi32> to vector<6x200xf32>
    %dot_general3A_153 = arith.constant dense<0.000000e+00> : vector<200x64xf32>
    %dot_general3A_154 = tpu.matmul %convert_element_type3A_152, %get3A_9, %dot_general3A_153 {dimension_numbers = #tpu.dot_dimension_numbers<[0], [0], [1], [1], [0, 1, 1, 1], [], []>, transpose_lhs_hint = false} : vector<6x200xf32>, vector<6x64xf32>, vector<200x64xf32> -> vector<200x64xf32>
    %swap3A_155 = arith.constant 2600 : index
    %swap3A_156 = arith.constant 0 : index
    %swap3A_157 = vector.load %arg4[%swap3A_155, %swap3A_156] : memref<12800x64xf32, #tpu.memory_space<vmem>>, vector<200x64xf32>
    tpu.vector_store %arg4[%swap3A_155, %swap3A_156], %dot_general3A_154 {strides = array<i32>} : memref<12800x64xf32, #tpu.memory_space<vmem>>, vector<200x64xf32>,
    %slice3A_158 = vector.extract_strided_slice %add3A {offsets = [14, 0], sizes = [1, 200], strides = [1, 1]} : vector<64x200xi32> to vector<1x200xi32>
    %broadcast_in_dim3A_159 = vector.shape_cast %slice3A_158 : vector<1x200xi32> to vector<1x200xi32>
    %broadcast_in_dim3A_160 = vector.broadcast %broadcast_in_dim3A_159 : vector<1x200xi32> to vector<6x200xi32>
    %eq3A_161 = arith.cmpi eq, %broadcast_in_dim3A_160, %iota3A : vector<6x200xi32>
    %convert_element_type3A_162 = arith.extui %eq3A_161 : vector<6x200xi1> to vector<6x200xi32>
    %convert_element_type3A_163 = arith.sitofp %convert_element_type3A_162 : vector<6x200xi32> to vector<6x200xf32>
    %dot_general3A_164 = arith.constant dense<0.000000e+00> : vector<200x64xf32>
    %dot_general3A_165 = tpu.matmul %convert_element_type3A_163, %get3A_9, %dot_general3A_164 {dimension_numbers = #tpu.dot_dimension_numbers<[0], [0], [1], [1], [0, 1, 1, 1], [], []>, transpose_lhs_hint = false} : vector<6x200xf32>, vector<6x64xf32>, vector<200x64xf32> -> vector<200x64xf32>
    %swap3A_166 = arith.constant 2800 : index
    %swap3A_167 = arith.constant 0 : index
    %swap3A_168 = vector.load %arg4[%swap3A_166, %swap3A_167] : memref<12800x64xf32, #tpu.memory_space<vmem>>, vector<200x64xf32>
    tpu.vector_store %arg4[%swap3A_166, %swap3A_167], %dot_general3A_165 {strides = array<i32>} : memref<12800x64xf32, #tpu.memory_space<vmem>>, vector<200x64xf32>,
    %slice3A_169 = vector.extract_strided_slice %add3A {offsets = [15, 0], sizes = [1, 200], strides = [1, 1]} : vector<64x200xi32> to vector<1x200xi32>
    %broadcast_in_dim3A_170 = vector.shape_cast %slice3A_169 : vector<1x200xi32> to vector<1x200xi32>
    %broadcast_in_dim3A_171 = vector.broadcast %broadcast_in_dim3A_170 : vector<1x200xi32> to vector<6x200xi32>
    %eq3A_172 = arith.cmpi eq, %broadcast_in_dim3A_171, %iota3A : vector<6x200xi32>
    %convert_element_type3A_173 = arith.extui %eq3A_172 : vector<6x200xi1> to vector<6x200xi32>
    %convert_element_type3A_174 = arith.sitofp %convert_element_type3A_173 : vector<6x200xi32> to vector<6x200xf32>
    %dot_general3A_175 = arith.constant dense<0.000000e+00> : vector<200x64xf32>
    %dot_general3A_176 = tpu.matmul %convert_element_type3A_174, %get3A_9, %dot_general3A_175 {dimension_numbers = #tpu.dot_dimension_numbers<[0], [0], [1], [1], [0, 1, 1, 1], [], []>, transpose_lhs_hint = false} : vector<6x200xf32>, vector<6x64xf32>, vector<200x64xf32> -> vector<200x64xf32>
    %swap3A_177 = arith.constant 3000 : index
    %swap3A_178 = arith.constant 0 : index
    %swap3A_179 = vector.load %arg4[%swap3A_177, %swap3A_178] : memref<12800x64xf32, #tpu.memory_space<vmem>>, vector<200x64xf32>
    tpu.vector_store %arg4[%swap3A_177, %swap3A_178], %dot_general3A_176 {strides = array<i32>} : memref<12800x64xf32, #tpu.memory_space<vmem>>, vector<200x64xf32>,
    %slice3A_180 = vector.extract_strided_slice %add3A {offsets = [16, 0], sizes = [1, 200], strides = [1, 1]} : vector<64x200xi32> to vector<1x200xi32>
    %broadcast_in_dim3A_181 = vector.shape_cast %slice3A_180 : vector<1x200xi32> to vector<1x200xi32>
    %broadcast_in_dim3A_182 = vector.broadcast %broadcast_in_dim3A_181 : vector<1x200xi32> to vector<6x200xi32>
    %eq3A_183 = arith.cmpi eq, %broadcast_in_dim3A_182, %iota3A : vector<6x200xi32>
    %convert_element_type3A_184 = arith.extui %eq3A_183 : vector<6x200xi1> to vector<6x200xi32>
    %convert_element_type3A_185 = arith.sitofp %convert_element_type3A_184 : vector<6x200xi32> to vector<6x200xf32>
    %dot_general3A_186 = arith.constant dense<0.000000e+00> : vector<200x64xf32>
    %dot_general3A_187 = tpu.matmul %convert_element_type3A_185, %get3A_9, %dot_general3A_186 {dimension_numbers = #tpu.dot_dimension_numbers<[0], [0], [1], [1], [0, 1, 1, 1], [], []>, transpose_lhs_hint = false} : vector<6x200xf32>, vector<6x64xf32>, vector<200x64xf32> -> vector<200x64xf32>
    %swap3A_188 = arith.constant 3200 : index
    %swap3A_189 = arith.constant 0 : index
    %swap3A_190 = vector.load %arg4[%swap3A_188, %swap3A_189] : memref<12800x64xf32, #tpu.memory_space<vmem>>, vector<200x64xf32>
    tpu.vector_store %arg4[%swap3A_188, %swap3A_189], %dot_general3A_187 {strides = array<i32>} : memref<12800x64xf32, #tpu.memory_space<vmem>>, vector<200x64xf32>,
    %slice3A_191 = vector.extract_strided_slice %add3A {offsets = [17, 0], sizes = [1, 200], strides = [1, 1]} : vector<64x200xi32> to vector<1x200xi32>
    %broadcast_in_dim3A_192 = vector.shape_cast %slice3A_191 : vector<1x200xi32> to vector<1x200xi32>
    %broadcast_in_dim3A_193 = vector.broadcast %broadcast_in_dim3A_192 : vector<1x200xi32> to vector<6x200xi32>
    %eq3A_194 = arith.cmpi eq, %broadcast_in_dim3A_193, %iota3A : vector<6x200xi32>
    %convert_element_type3A_195 = arith.extui %eq3A_194 : vector<6x200xi1> to vector<6x200xi32>
    %convert_element_type3A_196 = arith.sitofp %convert_element_type3A_195 : vector<6x200xi32> to vector<6x200xf32>
    %dot_general3A_197 = arith.constant dense<0.000000e+00> : vector<200x64xf32>
    %dot_general3A_198 = tpu.matmul %convert_element_type3A_196, %get3A_9, %dot_general3A_197 {dimension_numbers = #tpu.dot_dimension_numbers<[0], [0], [1], [1], [0, 1, 1, 1], [], []>, transpose_lhs_hint = false} : vector<6x200xf32>, vector<6x64xf32>, vector<200x64xf32> -> vector<200x64xf32>
    %swap3A_199 = arith.constant 3400 : index
    %swap3A_200 = arith.constant 0 : index
    %swap3A_201 = vector.load %arg4[%swap3A_199, %swap3A_200] : memref<12800x64xf32, #tpu.memory_space<vmem>>, vector<200x64xf32>
    tpu.vector_store %arg4[%swap3A_199, %swap3A_200], %dot_general3A_198 {strides = array<i32>} : memref<12800x64xf32, #tpu.memory_space<vmem>>, vector<200x64xf32>,
    %slice3A_202 = vector.extract_strided_slice %add3A {offsets = [18, 0], sizes = [1, 200], strides = [1, 1]} : vector<64x200xi32> to vector<1x200xi32>
    %broadcast_in_dim3A_203 = vector.shape_cast %slice3A_202 : vector<1x200xi32> to vector<1x200xi32>
    %broadcast_in_dim3A_204 = vector.broadcast %broadcast_in_dim3A_203 : vector<1x200xi32> to vector<6x200xi32>
    %eq3A_205 = arith.cmpi eq, %broadcast_in_dim3A_204, %iota3A : vector<6x200xi32>
    %convert_element_type3A_206 = arith.extui %eq3A_205 : vector<6x200xi1> to vector<6x200xi32>
    %convert_element_type3A_207 = arith.sitofp %convert_element_type3A_206 : vector<6x200xi32> to vector<6x200xf32>
    %dot_general3A_208 = arith.constant dense<0.000000e+00> : vector<200x64xf32>
    %dot_general3A_209 = tpu.matmul %convert_element_type3A_207, %get3A_9, %dot_general3A_208 {dimension_numbers = #tpu.dot_dimension_numbers<[0], [0], [1], [1], [0, 1, 1, 1], [], []>, transpose_lhs_hint = false} : vector<6x200xf32>, vector<6x64xf32>, vector<200x64xf32> -> vector<200x64xf32>
    %swap3A_210 = arith.constant 3600 : index
    %swap3A_211 = arith.constant 0 : index
    %swap3A_212 = vector.load %arg4[%swap3A_210, %swap3A_211] : memref<12800x64xf32, #tpu.memory_space<vmem>>, vector<200x64xf32>
    tpu.vector_store %arg4[%swap3A_210, %swap3A_211], %dot_general3A_209 {strides = array<i32>} : memref<12800x64xf32, #tpu.memory_space<vmem>>, vector<200x64xf32>,
    %slice3A_213 = vector.extract_strided_slice %add3A {offsets = [19, 0], sizes = [1, 200], strides = [1, 1]} : vector<64x200xi32> to vector<1x200xi32>
    %broadcast_in_dim3A_214 = vector.shape_cast %slice3A_213 : vector<1x200xi32> to vector<1x200xi32>
    %broadcast_in_dim3A_215 = vector.broadcast %broadcast_in_dim3A_214 : vector<1x200xi32> to vector<6x200xi32>
    %eq3A_216 = arith.cmpi eq, %broadcast_in_dim3A_215, %iota3A : vector<6x200xi32>
    %convert_element_type3A_217 = arith.extui %eq3A_216 : vector<6x200xi1> to vector<6x200xi32>
    %convert_element_type3A_218 = arith.sitofp %convert_element_type3A_217 : vector<6x200xi32> to vector<6x200xf32>
    %dot_general3A_219 = arith.constant dense<0.000000e+00> : vector<200x64xf32>
    %dot_general3A_220 = tpu.matmul %convert_element_type3A_218, %get3A_9, %dot_general3A_219 {dimension_numbers = #tpu.dot_dimension_numbers<[0], [0], [1], [1], [0, 1, 1, 1], [], []>, transpose_lhs_hint = false} : vector<6x200xf32>, vector<6x64xf32>, vector<200x64xf32> -> vector<200x64xf32>
    %swap3A_221 = arith.constant 3800 : index
    %swap3A_222 = arith.constant 0 : index
    %swap3A_223 = vector.load %arg4[%swap3A_221, %swap3A_222] : memref<12800x64xf32, #tpu.memory_space<vmem>>, vector<200x64xf32>
    tpu.vector_store %arg4[%swap3A_221, %swap3A_222], %dot_general3A_220 {strides = array<i32>} : memref<12800x64xf32, #tpu.memory_space<vmem>>, vector<200x64xf32>,
    %slice3A_224 = vector.extract_strided_slice %add3A {offsets = [20, 0], sizes = [1, 200], strides = [1, 1]} : vector<64x200xi32> to vector<1x200xi32>
    %broadcast_in_dim3A_225 = vector.shape_cast %slice3A_224 : vector<1x200xi32> to vector<1x200xi32>
    %broadcast_in_dim3A_226 = vector.broadcast %broadcast_in_dim3A_225 : vector<1x200xi32> to vector<6x200xi32>
    %eq3A_227 = arith.cmpi eq, %broadcast_in_dim3A_226, %iota3A : vector<6x200xi32>
    %convert_element_type3A_228 = arith.extui %eq3A_227 : vector<6x200xi1> to vector<6x200xi32>
    %convert_element_type3A_229 = arith.sitofp %convert_element_type3A_228 : vector<6x200xi32> to vector<6x200xf32>
    %dot_general3A_230 = arith.constant dense<0.000000e+00> : vector<200x64xf32>
    %dot_general3A_231 = tpu.matmul %convert_element_type3A_229, %get3A_9, %dot_general3A_230 {dimension_numbers = #tpu.dot_dimension_numbers<[0], [0], [1], [1], [0, 1, 1, 1], [], []>, transpose_lhs_hint = false} : vector<6x200xf32>, vector<6x64xf32>, vector<200x64xf32> -> vector<200x64xf32>
    %swap3A_232 = arith.constant 4000 : index
    %swap3A_233 = arith.constant 0 : index
    %swap3A_234 = vector.load %arg4[%swap3A_232, %swap3A_233] : memref<12800x64xf32, #tpu.memory_space<vmem>>, vector<200x64xf32>
    tpu.vector_store %arg4[%swap3A_232, %swap3A_233], %dot_general3A_231 {strides = array<i32>} : memref<12800x64xf32, #tpu.memory_space<vmem>>, vector<200x64xf32>,
    %slice3A_235 = vector.extract_strided_slice %add3A {offsets = [21, 0], sizes = [1, 200], strides = [1, 1]} : vector<64x200xi32> to vector<1x200xi32>
    %broadcast_in_dim3A_236 = vector.shape_cast %slice3A_235 : vector<1x200xi32> to vector<1x200xi32>
    %broadcast_in_dim3A_237 = vector.broadcast %broadcast_in_dim3A_236 : vector<1x200xi32> to vector<6x200xi32>
    %eq3A_238 = arith.cmpi eq, %broadcast_in_dim3A_237, %iota3A : vector<6x200xi32>
    %convert_element_type3A_239 = arith.extui %eq3A_238 : vector<6x200xi1> to vector<6x200xi32>
    %convert_element_type3A_240 = arith.sitofp %convert_element_type3A_239 : vector<6x200xi32> to vector<6x200xf32>
    %dot_general3A_241 = arith.constant dense<0.000000e+00> : vector<200x64xf32>
    %dot_general3A_242 = tpu.matmul %convert_element_type3A_240, %get3A_9, %dot_general3A_241 {dimension_numbers = #tpu.dot_dimension_numbers<[0], [0], [1], [1], [0, 1, 1, 1], [], []>, transpose_lhs_hint = false} : vector<6x200xf32>, vector<6x64xf32>, vector<200x64xf32> -> vector<200x64xf32>
    %swap3A_243 = arith.constant 4200 : index
    %swap3A_244 = arith.constant 0 : index
    %swap3A_245 = vector.load %arg4[%swap3A_243, %swap3A_244] : memref<12800x64xf32, #tpu.memory_space<vmem>>, vector<200x64xf32>
    tpu.vector_store %arg4[%swap3A_243, %swap3A_244], %dot_general3A_242 {strides = array<i32>} : memref<12800x64xf32, #tpu.memory_space<vmem>>, vector<200x64xf32>,
    %slice3A_246 = vector.extract_strided_slice %add3A {offsets = [22, 0], sizes = [1, 200], strides = [1, 1]} : vector<64x200xi32> to vector<1x200xi32>
    %broadcast_in_dim3A_247 = vector.shape_cast %slice3A_246 : vector<1x200xi32> to vector<1x200xi32>
    %broadcast_in_dim3A_248 = vector.broadcast %broadcast_in_dim3A_247 : vector<1x200xi32> to vector<6x200xi32>
    %eq3A_249 = arith.cmpi eq, %broadcast_in_dim3A_248, %iota3A : vector<6x200xi32>
    %convert_element_type3A_250 = arith.extui %eq3A_249 : vector<6x200xi1> to vector<6x200xi32>
    %convert_element_type3A_251 = arith.sitofp %convert_element_type3A_250 : vector<6x200xi32> to vector<6x200xf32>
    %dot_general3A_252 = arith.constant dense<0.000000e+00> : vector<200x64xf32>
    %dot_general3A_253 = tpu.matmul %convert_element_type3A_251, %get3A_9, %dot_general3A_252 {dimension_numbers = #tpu.dot_dimension_numbers<[0], [0], [1], [1], [0, 1, 1, 1], [], []>, transpose_lhs_hint = false} : vector<6x200xf32>, vector<6x64xf32>, vector<200x64xf32> -> vector<200x64xf32>
    %swap3A_254 = arith.constant 4400 : index
    %swap3A_255 = arith.constant 0 : index
    %swap3A_256 = vector.load %arg4[%swap3A_254, %swap3A_255] : memref<12800x64xf32, #tpu.memory_space<vmem>>, vector<200x64xf32>
    tpu.vector_store %arg4[%swap3A_254, %swap3A_255], %dot_general3A_253 {strides = array<i32>} : memref<12800x64xf32, #tpu.memory_space<vmem>>, vector<200x64xf32>,
    %slice3A_257 = vector.extract_strided_slice %add3A {offsets = [23, 0], sizes = [1, 200], strides = [1, 1]} : vector<64x200xi32> to vector<1x200xi32>
    %broadcast_in_dim3A_258 = vector.shape_cast %slice3A_257 : vector<1x200xi32> to vector<1x200xi32>
    %broadcast_in_dim3A_259 = vector.broadcast %broadcast_in_dim3A_258 : vector<1x200xi32> to vector<6x200xi32>
    %eq3A_260 = arith.cmpi eq, %broadcast_in_dim3A_259, %iota3A : vector<6x200xi32>
    %convert_element_type3A_261 = arith.extui %eq3A_260 : vector<6x200xi1> to vector<6x200xi32>
    %convert_element_type3A_262 = arith.sitofp %convert_element_type3A_261 : vector<6x200xi32> to vector<6x200xf32>
    %dot_general3A_263 = arith.constant dense<0.000000e+00> : vector<200x64xf32>
    %dot_general3A_264 = tpu.matmul %convert_element_type3A_262, %get3A_9, %dot_general3A_263 {dimension_numbers = #tpu.dot_dimension_numbers<[0], [0], [1], [1], [0, 1, 1, 1], [], []>, transpose_lhs_hint = false} : vector<6x200xf32>, vector<6x64xf32>, vector<200x64xf32> -> vector<200x64xf32>
    %swap3A_265 = arith.constant 4600 : index
    %swap3A_266 = arith.constant 0 : index
    %swap3A_267 = vector.load %arg4[%swap3A_265, %swap3A_266] : memref<12800x64xf32, #tpu.memory_space<vmem>>, vector<200x64xf32>
    tpu.vector_store %arg4[%swap3A_265, %swap3A_266], %dot_general3A_264 {strides = array<i32>} : memref<12800x64xf32, #tpu.memory_space<vmem>>, vector<200x64xf32>,
    %slice3A_268 = vector.extract_strided_slice %add3A {offsets = [24, 0], sizes = [1, 200], strides = [1, 1]} : vector<64x200xi32> to vector<1x200xi32>
    %broadcast_in_dim3A_269 = vector.shape_cast %slice3A_268 : vector<1x200xi32> to vector<1x200xi32>
    %broadcast_in_dim3A_270 = vector.broadcast %broadcast_in_dim3A_269 : vector<1x200xi32> to vector<6x200xi32>
    %eq3A_271 = arith.cmpi eq, %broadcast_in_dim3A_270, %iota3A : vector<6x200xi32>
    %convert_element_type3A_272 = arith.extui %eq3A_271 : vector<6x200xi1> to vector<6x200xi32>
    %convert_element_type3A_273 = arith.sitofp %convert_element_type3A_272 : vector<6x200xi32> to vector<6x200xf32>
    %dot_general3A_274 = arith.constant dense<0.000000e+00> : vector<200x64xf32>
    %dot_general3A_275 = tpu.matmul %convert_element_type3A_273, %get3A_9, %dot_general3A_274 {dimension_numbers = #tpu.dot_dimension_numbers<[0], [0], [1], [1], [0, 1, 1, 1], [], []>, transpose_lhs_hint = false} : vector<6x200xf32>, vector<6x64xf32>, vector<200x64xf32> -> vector<200x64xf32>
    %swap3A_276 = arith.constant 4800 : index
    %swap3A_277 = arith.constant 0 : index
    %swap3A_278 = vector.load %arg4[%swap3A_276, %swap3A_277] : memref<12800x64xf32, #tpu.memory_space<vmem>>, vector<200x64xf32>
    tpu.vector_store %arg4[%swap3A_276, %swap3A_277], %dot_general3A_275 {strides = array<i32>} : memref<12800x64xf32, #tpu.memory_space<vmem>>, vector<200x64xf32>,
    %slice3A_279 = vector.extract_strided_slice %add3A {offsets = [25, 0], sizes = [1, 200], strides = [1, 1]} : vector<64x200xi32> to vector<1x200xi32>
    %broadcast_in_dim3A_280 = vector.shape_cast %slice3A_279 : vector<1x200xi32> to vector<1x200xi32>
    %broadcast_in_dim3A_281 = vector.broadcast %broadcast_in_dim3A_280 : vector<1x200xi32> to vector<6x200xi32>
    %eq3A_282 = arith.cmpi eq, %broadcast_in_dim3A_281, %iota3A : vector<6x200xi32>
    %convert_element_type3A_283 = arith.extui %eq3A_282 : vector<6x200xi1> to vector<6x200xi32>
    %convert_element_type3A_284 = arith.sitofp %convert_element_type3A_283 : vector<6x200xi32> to vector<6x200xf32>
    %dot_general3A_285 = arith.constant dense<0.000000e+00> : vector<200x64xf32>
    %dot_general3A_286 = tpu.matmul %convert_element_type3A_284, %get3A_9, %dot_general3A_285 {dimension_numbers = #tpu.dot_dimension_numbers<[0], [0], [1], [1], [0, 1, 1, 1], [], []>, transpose_lhs_hint = false} : vector<6x200xf32>, vector<6x64xf32>, vector<200x64xf32> -> vector<200x64xf32>
    %swap3A_287 = arith.constant 5000 : index
    %swap3A_288 = arith.constant 0 : index
    %swap3A_289 = vector.load %arg4[%swap3A_287, %swap3A_288] : memref<12800x64xf32, #tpu.memory_space<vmem>>, vector<200x64xf32>
    tpu.vector_store %arg4[%swap3A_287, %swap3A_288], %dot_general3A_286 {strides = array<i32>} : memref<12800x64xf32, #tpu.memory_space<vmem>>, vector<200x64xf32>,
    %slice3A_290 = vector.extract_strided_slice %add3A {offsets = [26, 0], sizes = [1, 200], strides = [1, 1]} : vector<64x200xi32> to vector<1x200xi32>
    %broadcast_in_dim3A_291 = vector.shape_cast %slice3A_290 : vector<1x200xi32> to vector<1x200xi32>
    %broadcast_in_dim3A_292 = vector.broadcast %broadcast_in_dim3A_291 : vector<1x200xi32> to vector<6x200xi32>
    %eq3A_293 = arith.cmpi eq, %broadcast_in_dim3A_292, %iota3A : vector<6x200xi32>
    %convert_element_type3A_294 = arith.extui %eq3A_293 : vector<6x200xi1> to vector<6x200xi32>
    %convert_element_type3A_295 = arith.sitofp %convert_element_type3A_294 : vector<6x200xi32> to vector<6x200xf32>
    %dot_general3A_296 = arith.constant dense<0.000000e+00> : vector<200x64xf32>
    %dot_general3A_297 = tpu.matmul %convert_element_type3A_295, %get3A_9, %dot_general3A_296 {dimension_numbers = #tpu.dot_dimension_numbers<[0], [0], [1], [1], [0, 1, 1, 1], [], []>, transpose_lhs_hint = false} : vector<6x200xf32>, vector<6x64xf32>, vector<200x64xf32> -> vector<200x64xf32>
    %swap3A_298 = arith.constant 5200 : index
    %swap3A_299 = arith.constant 0 : index
    %swap3A_300 = vector.load %arg4[%swap3A_298, %swap3A_299] : memref<12800x64xf32, #tpu.memory_space<vmem>>, vector<200x64xf32>
    tpu.vector_store %arg4[%swap3A_298, %swap3A_299], %dot_general3A_297 {strides = array<i32>} : memref<12800x64xf32, #tpu.memory_space<vmem>>, vector<200x64xf32>,
    %slice3A_301 = vector.extract_strided_slice %add3A {offsets = [27, 0], sizes = [1, 200], strides = [1, 1]} : vector<64x200xi32> to vector<1x200xi32>
    %broadcast_in_dim3A_302 = vector.shape_cast %slice3A_301 : vector<1x200xi32> to vector<1x200xi32>
    %broadcast_in_dim3A_303 = vector.broadcast %broadcast_in_dim3A_302 : vector<1x200xi32> to vector<6x200xi32>
    %eq3A_304 = arith.cmpi eq, %broadcast_in_dim3A_303, %iota3A : vector<6x200xi32>
    %convert_element_type3A_305 = arith.extui %eq3A_304 : vector<6x200xi1> to vector<6x200xi32>
    %convert_element_type3A_306 = arith.sitofp %convert_element_type3A_305 : vector<6x200xi32> to vector<6x200xf32>
    %dot_general3A_307 = arith.constant dense<0.000000e+00> : vector<200x64xf32>
    %dot_general3A_308 = tpu.matmul %convert_element_type3A_306, %get3A_9, %dot_general3A_307 {dimension_numbers = #tpu.dot_dimension_numbers<[0], [0], [1], [1], [0, 1, 1, 1], [], []>, transpose_lhs_hint = false} : vector<6x200xf32>, vector<6x64xf32>, vector<200x64xf32> -> vector<200x64xf32>
    %swap3A_309 = arith.constant 5400 : index
    %swap3A_310 = arith.constant 0 : index
    %swap3A_311 = vector.load %arg4[%swap3A_309, %swap3A_310] : memref<12800x64xf32, #tpu.memory_space<vmem>>, vector<200x64xf32>
    tpu.vector_store %arg4[%swap3A_309, %swap3A_310], %dot_general3A_308 {strides = array<i32>} : memref<12800x64xf32, #tpu.memory_space<vmem>>, vector<200x64xf32>,
    %slice3A_312 = vector.extract_strided_slice %add3A {offsets = [28, 0], sizes = [1, 200], strides = [1, 1]} : vector<64x200xi32> to vector<1x200xi32>
    %broadcast_in_dim3A_313 = vector.shape_cast %slice3A_312 : vector<1x200xi32> to vector<1x200xi32>
    %broadcast_in_dim3A_314 = vector.broadcast %broadcast_in_dim3A_313 : vector<1x200xi32> to vector<6x200xi32>
    %eq3A_315 = arith.cmpi eq, %broadcast_in_dim3A_314, %iota3A : vector<6x200xi32>
    %convert_element_type3A_316 = arith.extui %eq3A_315 : vector<6x200xi1> to vector<6x200xi32>
    %convert_element_type3A_317 = arith.sitofp %convert_element_type3A_316 : vector<6x200xi32> to vector<6x200xf32>
    %dot_general3A_318 = arith.constant dense<0.000000e+00> : vector<200x64xf32>
    %dot_general3A_319 = tpu.matmul %convert_element_type3A_317, %get3A_9, %dot_general3A_318 {dimension_numbers = #tpu.dot_dimension_numbers<[0], [0], [1], [1], [0, 1, 1, 1], [], []>, transpose_lhs_hint = false} : vector<6x200xf32>, vector<6x64xf32>, vector<200x64xf32> -> vector<200x64xf32>
    %swap3A_320 = arith.constant 5600 : index
    %swap3A_321 = arith.constant 0 : index
    %swap3A_322 = vector.load %arg4[%swap3A_320, %swap3A_321] : memref<12800x64xf32, #tpu.memory_space<vmem>>, vector<200x64xf32>
    tpu.vector_store %arg4[%swap3A_320, %swap3A_321], %dot_general3A_319 {strides = array<i32>} : memref<12800x64xf32, #tpu.memory_space<vmem>>, vector<200x64xf32>,
    %slice3A_323 = vector.extract_strided_slice %add3A {offsets = [29, 0], sizes = [1, 200], strides = [1, 1]} : vector<64x200xi32> to vector<1x200xi32>
    %broadcast_in_dim3A_324 = vector.shape_cast %slice3A_323 : vector<1x200xi32> to vector<1x200xi32>
    %broadcast_in_dim3A_325 = vector.broadcast %broadcast_in_dim3A_324 : vector<1x200xi32> to vector<6x200xi32>
    %eq3A_326 = arith.cmpi eq, %broadcast_in_dim3A_325, %iota3A : vector<6x200xi32>
    %convert_element_type3A_327 = arith.extui %eq3A_326 : vector<6x200xi1> to vector<6x200xi32>
    %convert_element_type3A_328 = arith.sitofp %convert_element_type3A_327 : vector<6x200xi32> to vector<6x200xf32>
    %dot_general3A_329 = arith.constant dense<0.000000e+00> : vector<200x64xf32>
    %dot_general3A_330 = tpu.matmul %convert_element_type3A_328, %get3A_9, %dot_general3A_329 {dimension_numbers = #tpu.dot_dimension_numbers<[0], [0], [1], [1], [0, 1, 1, 1], [], []>, transpose_lhs_hint = false} : vector<6x200xf32>, vector<6x64xf32>, vector<200x64xf32> -> vector<200x64xf32>
    %swap3A_331 = arith.constant 5800 : index
    %swap3A_332 = arith.constant 0 : index
    %swap3A_333 = vector.load %arg4[%swap3A_331, %swap3A_332] : memref<12800x64xf32, #tpu.memory_space<vmem>>, vector<200x64xf32>
    tpu.vector_store %arg4[%swap3A_331, %swap3A_332], %dot_general3A_330 {strides = array<i32>} : memref<12800x64xf32, #tpu.memory_space<vmem>>, vector<200x64xf32>,
    %slice3A_334 = vector.extract_strided_slice %add3A {offsets = [30, 0], sizes = [1, 200], strides = [1, 1]} : vector<64x200xi32> to vector<1x200xi32>
    %broadcast_in_dim3A_335 = vector.shape_cast %slice3A_334 : vector<1x200xi32> to vector<1x200xi32>
    %broadcast_in_dim3A_336 = vector.broadcast %broadcast_in_dim3A_335 : vector<1x200xi32> to vector<6x200xi32>
    %eq3A_337 = arith.cmpi eq, %broadcast_in_dim3A_336, %iota3A : vector<6x200xi32>
    %convert_element_type3A_338 = arith.extui %eq3A_337 : vector<6x200xi1> to vector<6x200xi32>
    %convert_element_type3A_339 = arith.sitofp %convert_element_type3A_338 : vector<6x200xi32> to vector<6x200xf32>
    %dot_general3A_340 = arith.constant dense<0.000000e+00> : vector<200x64xf32>
    %dot_general3A_341 = tpu.matmul %convert_element_type3A_339, %get3A_9, %dot_general3A_340 {dimension_numbers = #tpu.dot_dimension_numbers<[0], [0], [1], [1], [0, 1, 1, 1], [], []>, transpose_lhs_hint = false} : vector<6x200xf32>, vector<6x64xf32>, vector<200x64xf32> -> vector<200x64xf32>
    %swap3A_342 = arith.constant 6000 : index
    %swap3A_343 = arith.constant 0 : index
    %swap3A_344 = vector.load %arg4[%swap3A_342, %swap3A_343] : memref<12800x64xf32, #tpu.memory_space<vmem>>, vector<200x64xf32>
    tpu.vector_store %arg4[%swap3A_342, %swap3A_343], %dot_general3A_341 {strides = array<i32>} : memref<12800x64xf32, #tpu.memory_space<vmem>>, vector<200x64xf32>,
    %slice3A_345 = vector.extract_strided_slice %add3A {offsets = [31, 0], sizes = [1, 200], strides = [1, 1]} : vector<64x200xi32> to vector<1x200xi32>
    %broadcast_in_dim3A_346 = vector.shape_cast %slice3A_345 : vector<1x200xi32> to vector<1x200xi32>
    %broadcast_in_dim3A_347 = vector.broadcast %broadcast_in_dim3A_346 : vector<1x200xi32> to vector<6x200xi32>
    %eq3A_348 = arith.cmpi eq, %broadcast_in_dim3A_347, %iota3A : vector<6x200xi32>
    %convert_element_type3A_349 = arith.extui %eq3A_348 : vector<6x200xi1> to vector<6x200xi32>
    %convert_element_type3A_350 = arith.sitofp %convert_element_type3A_349 : vector<6x200xi32> to vector<6x200xf32>
    %dot_general3A_351 = arith.constant dense<0.000000e+00> : vector<200x64xf32>
    %dot_general3A_352 = tpu.matmul %convert_element_type3A_350, %get3A_9, %dot_general3A_351 {dimension_numbers = #tpu.dot_dimension_numbers<[0], [0], [1], [1], [0, 1, 1, 1], [], []>, transpose_lhs_hint = false} : vector<6x200xf32>, vector<6x64xf32>, vector<200x64xf32> -> vector<200x64xf32>
    %swap3A_353 = arith.constant 6200 : index
    %swap3A_354 = arith.constant 0 : index
    %swap3A_355 = vector.load %arg4[%swap3A_353, %swap3A_354] : memref<12800x64xf32, #tpu.memory_space<vmem>>, vector<200x64xf32>
    tpu.vector_store %arg4[%swap3A_353, %swap3A_354], %dot_general3A_352 {strides = array<i32>} : memref<12800x64xf32, #tpu.memory_space<vmem>>, vector<200x64xf32>,
    %slice3A_356 = vector.extract_strided_slice %add3A {offsets = [32, 0], sizes = [1, 200], strides = [1, 1]} : vector<64x200xi32> to vector<1x200xi32>
    %broadcast_in_dim3A_357 = vector.shape_cast %slice3A_356 : vector<1x200xi32> to vector<1x200xi32>
    %broadcast_in_dim3A_358 = vector.broadcast %broadcast_in_dim3A_357 : vector<1x200xi32> to vector<6x200xi32>
    %eq3A_359 = arith.cmpi eq, %broadcast_in_dim3A_358, %iota3A : vector<6x200xi32>
    %convert_element_type3A_360 = arith.extui %eq3A_359 : vector<6x200xi1> to vector<6x200xi32>
    %convert_element_type3A_361 = arith.sitofp %convert_element_type3A_360 : vector<6x200xi32> to vector<6x200xf32>
    %dot_general3A_362 = arith.constant dense<0.000000e+00> : vector<200x64xf32>
    %dot_general3A_363 = tpu.matmul %convert_element_type3A_361, %get3A_9, %dot_general3A_362 {dimension_numbers = #tpu.dot_dimension_numbers<[0], [0], [1], [1], [0, 1, 1, 1], [], []>, transpose_lhs_hint = false} : vector<6x200xf32>, vector<6x64xf32>, vector<200x64xf32> -> vector<200x64xf32>
    %swap3A_364 = arith.constant 6400 : index
    %swap3A_365 = arith.constant 0 : index
    %swap3A_366 = vector.load %arg4[%swap3A_364, %swap3A_365] : memref<12800x64xf32, #tpu.memory_space<vmem>>, vector<200x64xf32>
    tpu.vector_store %arg4[%swap3A_364, %swap3A_365], %dot_general3A_363 {strides = array<i32>} : memref<12800x64xf32, #tpu.memory_space<vmem>>, vector<200x64xf32>,
    %slice3A_367 = vector.extract_strided_slice %add3A {offsets = [33, 0], sizes = [1, 200], strides = [1, 1]} : vector<64x200xi32> to vector<1x200xi32>
    %broadcast_in_dim3A_368 = vector.shape_cast %slice3A_367 : vector<1x200xi32> to vector<1x200xi32>
    %broadcast_in_dim3A_369 = vector.broadcast %broadcast_in_dim3A_368 : vector<1x200xi32> to vector<6x200xi32>
    %eq3A_370 = arith.cmpi eq, %broadcast_in_dim3A_369, %iota3A : vector<6x200xi32>
    %convert_element_type3A_371 = arith.extui %eq3A_370 : vector<6x200xi1> to vector<6x200xi32>
    %convert_element_type3A_372 = arith.sitofp %convert_element_type3A_371 : vector<6x200xi32> to vector<6x200xf32>
    %dot_general3A_373 = arith.constant dense<0.000000e+00> : vector<200x64xf32>
    %dot_general3A_374 = tpu.matmul %convert_element_type3A_372, %get3A_9, %dot_general3A_373 {dimension_numbers = #tpu.dot_dimension_numbers<[0], [0], [1], [1], [0, 1, 1, 1], [], []>, transpose_lhs_hint = false} : vector<6x200xf32>, vector<6x64xf32>, vector<200x64xf32> -> vector<200x64xf32>
    %swap3A_375 = arith.constant 6600 : index
    %swap3A_376 = arith.constant 0 : index
    %swap3A_377 = vector.load %arg4[%swap3A_375, %swap3A_376] : memref<12800x64xf32, #tpu.memory_space<vmem>>, vector<200x64xf32>
    tpu.vector_store %arg4[%swap3A_375, %swap3A_376], %dot_general3A_374 {strides = array<i32>} : memref<12800x64xf32, #tpu.memory_space<vmem>>, vector<200x64xf32>,
    %slice3A_378 = vector.extract_strided_slice %add3A {offsets = [34, 0], sizes = [1, 200], strides = [1, 1]} : vector<64x200xi32> to vector<1x200xi32>
    %broadcast_in_dim3A_379 = vector.shape_cast %slice3A_378 : vector<1x200xi32> to vector<1x200xi32>
    %broadcast_in_dim3A_380 = vector.broadcast %broadcast_in_dim3A_379 : vector<1x200xi32> to vector<6x200xi32>
    %eq3A_381 = arith.cmpi eq, %broadcast_in_dim3A_380, %iota3A : vector<6x200xi32>
    %convert_element_type3A_382 = arith.extui %eq3A_381 : vector<6x200xi1> to vector<6x200xi32>
    %convert_element_type3A_383 = arith.sitofp %convert_element_type3A_382 : vector<6x200xi32> to vector<6x200xf32>
    %dot_general3A_384 = arith.constant dense<0.000000e+00> : vector<200x64xf32>
    %dot_general3A_385 = tpu.matmul %convert_element_type3A_383, %get3A_9, %dot_general3A_384 {dimension_numbers = #tpu.dot_dimension_numbers<[0], [0], [1], [1], [0, 1, 1, 1], [], []>, transpose_lhs_hint = false} : vector<6x200xf32>, vector<6x64xf32>, vector<200x64xf32> -> vector<200x64xf32>
    %swap3A_386 = arith.constant 6800 : index
    %swap3A_387 = arith.constant 0 : index
    %swap3A_388 = vector.load %arg4[%swap3A_386, %swap3A_387] : memref<12800x64xf32, #tpu.memory_space<vmem>>, vector<200x64xf32>
    tpu.vector_store %arg4[%swap3A_386, %swap3A_387], %dot_general3A_385 {strides = array<i32>} : memref<12800x64xf32, #tpu.memory_space<vmem>>, vector<200x64xf32>,
    %slice3A_389 = vector.extract_strided_slice %add3A {offsets = [35, 0], sizes = [1, 200], strides = [1, 1]} : vector<64x200xi32> to vector<1x200xi32>
    %broadcast_in_dim3A_390 = vector.shape_cast %slice3A_389 : vector<1x200xi32> to vector<1x200xi32>
    %broadcast_in_dim3A_391 = vector.broadcast %broadcast_in_dim3A_390 : vector<1x200xi32> to vector<6x200xi32>
    %eq3A_392 = arith.cmpi eq, %broadcast_in_dim3A_391, %iota3A : vector<6x200xi32>
    %convert_element_type3A_393 = arith.extui %eq3A_392 : vector<6x200xi1> to vector<6x200xi32>
    %convert_element_type3A_394 = arith.sitofp %convert_element_type3A_393 : vector<6x200xi32> to vector<6x200xf32>
    %dot_general3A_395 = arith.constant dense<0.000000e+00> : vector<200x64xf32>
    %dot_general3A_396 = tpu.matmul %convert_element_type3A_394, %get3A_9, %dot_general3A_395 {dimension_numbers = #tpu.dot_dimension_numbers<[0], [0], [1], [1], [0, 1, 1, 1], [], []>, transpose_lhs_hint = false} : vector<6x200xf32>, vector<6x64xf32>, vector<200x64xf32> -> vector<200x64xf32>
    %swap3A_397 = arith.constant 7000 : index
    %swap3A_398 = arith.constant 0 : index
    %swap3A_399 = vector.load %arg4[%swap3A_397, %swap3A_398] : memref<12800x64xf32, #tpu.memory_space<vmem>>, vector<200x64xf32>
    tpu.vector_store %arg4[%swap3A_397, %swap3A_398], %dot_general3A_396 {strides = array<i32>} : memref<12800x64xf32, #tpu.memory_space<vmem>>, vector<200x64xf32>,
    %slice3A_400 = vector.extract_strided_slice %add3A {offsets = [36, 0], sizes = [1, 200], strides = [1, 1]} : vector<64x200xi32> to vector<1x200xi32>
    %broadcast_in_dim3A_401 = vector.shape_cast %slice3A_400 : vector<1x200xi32> to vector<1x200xi32>
    %broadcast_in_dim3A_402 = vector.broadcast %broadcast_in_dim3A_401 : vector<1x200xi32> to vector<6x200xi32>
    %eq3A_403 = arith.cmpi eq, %broadcast_in_dim3A_402, %iota3A : vector<6x200xi32>
    %convert_element_type3A_404 = arith.extui %eq3A_403 : vector<6x200xi1> to vector<6x200xi32>
    %convert_element_type3A_405 = arith.sitofp %convert_element_type3A_404 : vector<6x200xi32> to vector<6x200xf32>
    %dot_general3A_406 = arith.constant dense<0.000000e+00> : vector<200x64xf32>
    %dot_general3A_407 = tpu.matmul %convert_element_type3A_405, %get3A_9, %dot_general3A_406 {dimension_numbers = #tpu.dot_dimension_numbers<[0], [0], [1], [1], [0, 1, 1, 1], [], []>, transpose_lhs_hint = false} : vector<6x200xf32>, vector<6x64xf32>, vector<200x64xf32> -> vector<200x64xf32>
    %swap3A_408 = arith.constant 7200 : index
    %swap3A_409 = arith.constant 0 : index
    %swap3A_410 = vector.load %arg4[%swap3A_408, %swap3A_409] : memref<12800x64xf32, #tpu.memory_space<vmem>>, vector<200x64xf32>
    tpu.vector_store %arg4[%swap3A_408, %swap3A_409], %dot_general3A_407 {strides = array<i32>} : memref<12800x64xf32, #tpu.memory_space<vmem>>, vector<200x64xf32>,
    %slice3A_411 = vector.extract_strided_slice %add3A {offsets = [37, 0], sizes = [1, 200], strides = [1, 1]} : vector<64x200xi32> to vector<1x200xi32>
    %broadcast_in_dim3A_412 = vector.shape_cast %slice3A_411 : vector<1x200xi32> to vector<1x200xi32>
    %broadcast_in_dim3A_413 = vector.broadcast %broadcast_in_dim3A_412 : vector<1x200xi32> to vector<6x200xi32>
    %eq3A_414 = arith.cmpi eq, %broadcast_in_dim3A_413, %iota3A : vector<6x200xi32>
    %convert_element_type3A_415 = arith.extui %eq3A_414 : vector<6x200xi1> to vector<6x200xi32>
    %convert_element_type3A_416 = arith.sitofp %convert_element_type3A_415 : vector<6x200xi32> to vector<6x200xf32>
    %dot_general3A_417 = arith.constant dense<0.000000e+00> : vector<200x64xf32>
    %dot_general3A_418 = tpu.matmul %convert_element_type3A_416, %get3A_9, %dot_general3A_417 {dimension_numbers = #tpu.dot_dimension_numbers<[0], [0], [1], [1], [0, 1, 1, 1], [], []>, transpose_lhs_hint = false} : vector<6x200xf32>, vector<6x64xf32>, vector<200x64xf32> -> vector<200x64xf32>
    %swap3A_419 = arith.constant 7400 : index
    %swap3A_420 = arith.constant 0 : index
    %swap3A_421 = vector.load %arg4[%swap3A_419, %swap3A_420] : memref<12800x64xf32, #tpu.memory_space<vmem>>, vector<200x64xf32>
    tpu.vector_store %arg4[%swap3A_419, %swap3A_420], %dot_general3A_418 {strides = array<i32>} : memref<12800x64xf32, #tpu.memory_space<vmem>>, vector<200x64xf32>,
    %slice3A_422 = vector.extract_strided_slice %add3A {offsets = [38, 0], sizes = [1, 200], strides = [1, 1]} : vector<64x200xi32> to vector<1x200xi32>
    %broadcast_in_dim3A_423 = vector.shape_cast %slice3A_422 : vector<1x200xi32> to vector<1x200xi32>
    %broadcast_in_dim3A_424 = vector.broadcast %broadcast_in_dim3A_423 : vector<1x200xi32> to vector<6x200xi32>
    %eq3A_425 = arith.cmpi eq, %broadcast_in_dim3A_424, %iota3A : vector<6x200xi32>
    %convert_element_type3A_426 = arith.extui %eq3A_425 : vector<6x200xi1> to vector<6x200xi32>
    %convert_element_type3A_427 = arith.sitofp %convert_element_type3A_426 : vector<6x200xi32> to vector<6x200xf32>
    %dot_general3A_428 = arith.constant dense<0.000000e+00> : vector<200x64xf32>
    %dot_general3A_429 = tpu.matmul %convert_element_type3A_427, %get3A_9, %dot_general3A_428 {dimension_numbers = #tpu.dot_dimension_numbers<[0], [0], [1], [1], [0, 1, 1, 1], [], []>, transpose_lhs_hint = false} : vector<6x200xf32>, vector<6x64xf32>, vector<200x64xf32> -> vector<200x64xf32>
    %swap3A_430 = arith.constant 7600 : index
    %swap3A_431 = arith.constant 0 : index
    %swap3A_432 = vector.load %arg4[%swap3A_430, %swap3A_431] : memref<12800x64xf32, #tpu.memory_space<vmem>>, vector<200x64xf32>
    tpu.vector_store %arg4[%swap3A_430, %swap3A_431], %dot_general3A_429 {strides = array<i32>} : memref<12800x64xf32, #tpu.memory_space<vmem>>, vector<200x64xf32>,
    %slice3A_433 = vector.extract_strided_slice %add3A {offsets = [39, 0], sizes = [1, 200], strides = [1, 1]} : vector<64x200xi32> to vector<1x200xi32>
    %broadcast_in_dim3A_434 = vector.shape_cast %slice3A_433 : vector<1x200xi32> to vector<1x200xi32>
    %broadcast_in_dim3A_435 = vector.broadcast %broadcast_in_dim3A_434 : vector<1x200xi32> to vector<6x200xi32>
    %eq3A_436 = arith.cmpi eq, %broadcast_in_dim3A_435, %iota3A : vector<6x200xi32>
    %convert_element_type3A_437 = arith.extui %eq3A_436 : vector<6x200xi1> to vector<6x200xi32>
    %convert_element_type3A_438 = arith.sitofp %convert_element_type3A_437 : vector<6x200xi32> to vector<6x200xf32>
    %dot_general3A_439 = arith.constant dense<0.000000e+00> : vector<200x64xf32>
    %dot_general3A_440 = tpu.matmul %convert_element_type3A_438, %get3A_9, %dot_general3A_439 {dimension_numbers = #tpu.dot_dimension_numbers<[0], [0], [1], [1], [0, 1, 1, 1], [], []>, transpose_lhs_hint = false} : vector<6x200xf32>, vector<6x64xf32>, vector<200x64xf32> -> vector<200x64xf32>
    %swap3A_441 = arith.constant 7800 : index
    %swap3A_442 = arith.constant 0 : index
    %swap3A_443 = vector.load %arg4[%swap3A_441, %swap3A_442] : memref<12800x64xf32, #tpu.memory_space<vmem>>, vector<200x64xf32>
    tpu.vector_store %arg4[%swap3A_441, %swap3A_442], %dot_general3A_440 {strides = array<i32>} : memref<12800x64xf32, #tpu.memory_space<vmem>>, vector<200x64xf32>,
    %slice3A_444 = vector.extract_strided_slice %add3A {offsets = [40, 0], sizes = [1, 200], strides = [1, 1]} : vector<64x200xi32> to vector<1x200xi32>
    %broadcast_in_dim3A_445 = vector.shape_cast %slice3A_444 : vector<1x200xi32> to vector<1x200xi32>
    %broadcast_in_dim3A_446 = vector.broadcast %broadcast_in_dim3A_445 : vector<1x200xi32> to vector<6x200xi32>
    %eq3A_447 = arith.cmpi eq, %broadcast_in_dim3A_446, %iota3A : vector<6x200xi32>
    %convert_element_type3A_448 = arith.extui %eq3A_447 : vector<6x200xi1> to vector<6x200xi32>
    %convert_element_type3A_449 = arith.sitofp %convert_element_type3A_448 : vector<6x200xi32> to vector<6x200xf32>
    %dot_general3A_450 = arith.constant dense<0.000000e+00> : vector<200x64xf32>
    %dot_general3A_451 = tpu.matmul %convert_element_type3A_449, %get3A_9, %dot_general3A_450 {dimension_numbers = #tpu.dot_dimension_numbers<[0], [0], [1], [1], [0, 1, 1, 1], [], []>, transpose_lhs_hint = false} : vector<6x200xf32>, vector<6x64xf32>, vector<200x64xf32> -> vector<200x64xf32>
    %swap3A_452 = arith.constant 8000 : index
    %swap3A_453 = arith.constant 0 : index
    %swap3A_454 = vector.load %arg4[%swap3A_452, %swap3A_453] : memref<12800x64xf32, #tpu.memory_space<vmem>>, vector<200x64xf32>
    tpu.vector_store %arg4[%swap3A_452, %swap3A_453], %dot_general3A_451 {strides = array<i32>} : memref<12800x64xf32, #tpu.memory_space<vmem>>, vector<200x64xf32>,
    %slice3A_455 = vector.extract_strided_slice %add3A {offsets = [41, 0], sizes = [1, 200], strides = [1, 1]} : vector<64x200xi32> to vector<1x200xi32>
    %broadcast_in_dim3A_456 = vector.shape_cast %slice3A_455 : vector<1x200xi32> to vector<1x200xi32>
    %broadcast_in_dim3A_457 = vector.broadcast %broadcast_in_dim3A_456 : vector<1x200xi32> to vector<6x200xi32>
    %eq3A_458 = arith.cmpi eq, %broadcast_in_dim3A_457, %iota3A : vector<6x200xi32>
    %convert_element_type3A_459 = arith.extui %eq3A_458 : vector<6x200xi1> to vector<6x200xi32>
    %convert_element_type3A_460 = arith.sitofp %convert_element_type3A_459 : vector<6x200xi32> to vector<6x200xf32>
    %dot_general3A_461 = arith.constant dense<0.000000e+00> : vector<200x64xf32>
    %dot_general3A_462 = tpu.matmul %convert_element_type3A_460, %get3A_9, %dot_general3A_461 {dimension_numbers = #tpu.dot_dimension_numbers<[0], [0], [1], [1], [0, 1, 1, 1], [], []>, transpose_lhs_hint = false} : vector<6x200xf32>, vector<6x64xf32>, vector<200x64xf32> -> vector<200x64xf32>
    %swap3A_463 = arith.constant 8200 : index
    %swap3A_464 = arith.constant 0 : index
    %swap3A_465 = vector.load %arg4[%swap3A_463, %swap3A_464] : memref<12800x64xf32, #tpu.memory_space<vmem>>, vector<200x64xf32>
    tpu.vector_store %arg4[%swap3A_463, %swap3A_464], %dot_general3A_462 {strides = array<i32>} : memref<12800x64xf32, #tpu.memory_space<vmem>>, vector<200x64xf32>,
    %slice3A_466 = vector.extract_strided_slice %add3A {offsets = [42, 0], sizes = [1, 200], strides = [1, 1]} : vector<64x200xi32> to vector<1x200xi32>
    %broadcast_in_dim3A_467 = vector.shape_cast %slice3A_466 : vector<1x200xi32> to vector<1x200xi32>
    %broadcast_in_dim3A_468 = vector.broadcast %broadcast_in_dim3A_467 : vector<1x200xi32> to vector<6x200xi32>
    %eq3A_469 = arith.cmpi eq, %broadcast_in_dim3A_468, %iota3A : vector<6x200xi32>
    %convert_element_type3A_470 = arith.extui %eq3A_469 : vector<6x200xi1> to vector<6x200xi32>
    %convert_element_type3A_471 = arith.sitofp %convert_element_type3A_470 : vector<6x200xi32> to vector<6x200xf32>
    %dot_general3A_472 = arith.constant dense<0.000000e+00> : vector<200x64xf32>
    %dot_general3A_473 = tpu.matmul %convert_element_type3A_471, %get3A_9, %dot_general3A_472 {dimension_numbers = #tpu.dot_dimension_numbers<[0], [0], [1], [1], [0, 1, 1, 1], [], []>, transpose_lhs_hint = false} : vector<6x200xf32>, vector<6x64xf32>, vector<200x64xf32> -> vector<200x64xf32>
    %swap3A_474 = arith.constant 8400 : index
    %swap3A_475 = arith.constant 0 : index
    %swap3A_476 = vector.load %arg4[%swap3A_474, %swap3A_475] : memref<12800x64xf32, #tpu.memory_space<vmem>>, vector<200x64xf32>
    tpu.vector_store %arg4[%swap3A_474, %swap3A_475], %dot_general3A_473 {strides = array<i32>} : memref<12800x64xf32, #tpu.memory_space<vmem>>, vector<200x64xf32>,
    %slice3A_477 = vector.extract_strided_slice %add3A {offsets = [43, 0], sizes = [1, 200], strides = [1, 1]} : vector<64x200xi32> to vector<1x200xi32>
    %broadcast_in_dim3A_478 = vector.shape_cast %slice3A_477 : vector<1x200xi32> to vector<1x200xi32>
    %broadcast_in_dim3A_479 = vector.broadcast %broadcast_in_dim3A_478 : vector<1x200xi32> to vector<6x200xi32>
    %eq3A_480 = arith.cmpi eq, %broadcast_in_dim3A_479, %iota3A : vector<6x200xi32>
    %convert_element_type3A_481 = arith.extui %eq3A_480 : vector<6x200xi1> to vector<6x200xi32>
    %convert_element_type3A_482 = arith.sitofp %convert_element_type3A_481 : vector<6x200xi32> to vector<6x200xf32>
    %dot_general3A_483 = arith.constant dense<0.000000e+00> : vector<200x64xf32>
    %dot_general3A_484 = tpu.matmul %convert_element_type3A_482, %get3A_9, %dot_general3A_483 {dimension_numbers = #tpu.dot_dimension_numbers<[0], [0], [1], [1], [0, 1, 1, 1], [], []>, transpose_lhs_hint = false} : vector<6x200xf32>, vector<6x64xf32>, vector<200x64xf32> -> vector<200x64xf32>
    %swap3A_485 = arith.constant 8600 : index
    %swap3A_486 = arith.constant 0 : index
    %swap3A_487 = vector.load %arg4[%swap3A_485, %swap3A_486] : memref<12800x64xf32, #tpu.memory_space<vmem>>, vector<200x64xf32>
    tpu.vector_store %arg4[%swap3A_485, %swap3A_486], %dot_general3A_484 {strides = array<i32>} : memref<12800x64xf32, #tpu.memory_space<vmem>>, vector<200x64xf32>,
    %slice3A_488 = vector.extract_strided_slice %add3A {offsets = [44, 0], sizes = [1, 200], strides = [1, 1]} : vector<64x200xi32> to vector<1x200xi32>
    %broadcast_in_dim3A_489 = vector.shape_cast %slice3A_488 : vector<1x200xi32> to vector<1x200xi32>
    %broadcast_in_dim3A_490 = vector.broadcast %broadcast_in_dim3A_489 : vector<1x200xi32> to vector<6x200xi32>
    %eq3A_491 = arith.cmpi eq, %broadcast_in_dim3A_490, %iota3A : vector<6x200xi32>
    %convert_element_type3A_492 = arith.extui %eq3A_491 : vector<6x200xi1> to vector<6x200xi32>
    %convert_element_type3A_493 = arith.sitofp %convert_element_type3A_492 : vector<6x200xi32> to vector<6x200xf32>
    %dot_general3A_494 = arith.constant dense<0.000000e+00> : vector<200x64xf32>
    %dot_general3A_495 = tpu.matmul %convert_element_type3A_493, %get3A_9, %dot_general3A_494 {dimension_numbers = #tpu.dot_dimension_numbers<[0], [0], [1], [1], [0, 1, 1, 1], [], []>, transpose_lhs_hint = false} : vector<6x200xf32>, vector<6x64xf32>, vector<200x64xf32> -> vector<200x64xf32>
    %swap3A_496 = arith.constant 8800 : index
    %swap3A_497 = arith.constant 0 : index
    %swap3A_498 = vector.load %arg4[%swap3A_496, %swap3A_497] : memref<12800x64xf32, #tpu.memory_space<vmem>>, vector<200x64xf32>
    tpu.vector_store %arg4[%swap3A_496, %swap3A_497], %dot_general3A_495 {strides = array<i32>} : memref<12800x64xf32, #tpu.memory_space<vmem>>, vector<200x64xf32>,
    %slice3A_499 = vector.extract_strided_slice %add3A {offsets = [45, 0], sizes = [1, 200], strides = [1, 1]} : vector<64x200xi32> to vector<1x200xi32>
    %broadcast_in_dim3A_500 = vector.shape_cast %slice3A_499 : vector<1x200xi32> to vector<1x200xi32>
    %broadcast_in_dim3A_501 = vector.broadcast %broadcast_in_dim3A_500 : vector<1x200xi32> to vector<6x200xi32>
    %eq3A_502 = arith.cmpi eq, %broadcast_in_dim3A_501, %iota3A : vector<6x200xi32>
    %convert_element_type3A_503 = arith.extui %eq3A_502 : vector<6x200xi1> to vector<6x200xi32>
    %convert_element_type3A_504 = arith.sitofp %convert_element_type3A_503 : vector<6x200xi32> to vector<6x200xf32>
    %dot_general3A_505 = arith.constant dense<0.000000e+00> : vector<200x64xf32>
    %dot_general3A_506 = tpu.matmul %convert_element_type3A_504, %get3A_9, %dot_general3A_505 {dimension_numbers = #tpu.dot_dimension_numbers<[0], [0], [1], [1], [0, 1, 1, 1], [], []>, transpose_lhs_hint = false} : vector<6x200xf32>, vector<6x64xf32>, vector<200x64xf32> -> vector<200x64xf32>
    %swap3A_507 = arith.constant 9000 : index
    %swap3A_508 = arith.constant 0 : index
    %swap3A_509 = vector.load %arg4[%swap3A_507, %swap3A_508] : memref<12800x64xf32, #tpu.memory_space<vmem>>, vector<200x64xf32>
    tpu.vector_store %arg4[%swap3A_507, %swap3A_508], %dot_general3A_506 {strides = array<i32>} : memref<12800x64xf32, #tpu.memory_space<vmem>>, vector<200x64xf32>,
    %slice3A_510 = vector.extract_strided_slice %add3A {offsets = [46, 0], sizes = [1, 200], strides = [1, 1]} : vector<64x200xi32> to vector<1x200xi32>
    %broadcast_in_dim3A_511 = vector.shape_cast %slice3A_510 : vector<1x200xi32> to vector<1x200xi32>
    %broadcast_in_dim3A_512 = vector.broadcast %broadcast_in_dim3A_511 : vector<1x200xi32> to vector<6x200xi32>
    %eq3A_513 = arith.cmpi eq, %broadcast_in_dim3A_512, %iota3A : vector<6x200xi32>
    %convert_element_type3A_514 = arith.extui %eq3A_513 : vector<6x200xi1> to vector<6x200xi32>
    %convert_element_type3A_515 = arith.sitofp %convert_element_type3A_514 : vector<6x200xi32> to vector<6x200xf32>
    %dot_general3A_516 = arith.constant dense<0.000000e+00> : vector<200x64xf32>
    %dot_general3A_517 = tpu.matmul %convert_element_type3A_515, %get3A_9, %dot_general3A_516 {dimension_numbers = #tpu.dot_dimension_numbers<[0], [0], [1], [1], [0, 1, 1, 1], [], []>, transpose_lhs_hint = false} : vector<6x200xf32>, vector<6x64xf32>, vector<200x64xf32> -> vector<200x64xf32>
    %swap3A_518 = arith.constant 9200 : index
    %swap3A_519 = arith.constant 0 : index
    %swap3A_520 = vector.load %arg4[%swap3A_518, %swap3A_519] : memref<12800x64xf32, #tpu.memory_space<vmem>>, vector<200x64xf32>
    tpu.vector_store %arg4[%swap3A_518, %swap3A_519], %dot_general3A_517 {strides = array<i32>} : memref<12800x64xf32, #tpu.memory_space<vmem>>, vector<200x64xf32>,
    %slice3A_521 = vector.extract_strided_slice %add3A {offsets = [47, 0], sizes = [1, 200], strides = [1, 1]} : vector<64x200xi32> to vector<1x200xi32>
    %broadcast_in_dim3A_522 = vector.shape_cast %slice3A_521 : vector<1x200xi32> to vector<1x200xi32>
    %broadcast_in_dim3A_523 = vector.broadcast %broadcast_in_dim3A_522 : vector<1x200xi32> to vector<6x200xi32>
    %eq3A_524 = arith.cmpi eq, %broadcast_in_dim3A_523, %iota3A : vector<6x200xi32>
    %convert_element_type3A_525 = arith.extui %eq3A_524 : vector<6x200xi1> to vector<6x200xi32>
    %convert_element_type3A_526 = arith.sitofp %convert_element_type3A_525 : vector<6x200xi32> to vector<6x200xf32>
    %dot_general3A_527 = arith.constant dense<0.000000e+00> : vector<200x64xf32>
    %dot_general3A_528 = tpu.matmul %convert_element_type3A_526, %get3A_9, %dot_general3A_527 {dimension_numbers = #tpu.dot_dimension_numbers<[0], [0], [1], [1], [0, 1, 1, 1], [], []>, transpose_lhs_hint = false} : vector<6x200xf32>, vector<6x64xf32>, vector<200x64xf32> -> vector<200x64xf32>
    %swap3A_529 = arith.constant 9400 : index
    %swap3A_530 = arith.constant 0 : index
    %swap3A_531 = vector.load %arg4[%swap3A_529, %swap3A_530] : memref<12800x64xf32, #tpu.memory_space<vmem>>, vector<200x64xf32>
    tpu.vector_store %arg4[%swap3A_529, %swap3A_530], %dot_general3A_528 {strides = array<i32>} : memref<12800x64xf32, #tpu.memory_space<vmem>>, vector<200x64xf32>,
    %slice3A_532 = vector.extract_strided_slice %add3A {offsets = [48, 0], sizes = [1, 200], strides = [1, 1]} : vector<64x200xi32> to vector<1x200xi32>
    %broadcast_in_dim3A_533 = vector.shape_cast %slice3A_532 : vector<1x200xi32> to vector<1x200xi32>
    %broadcast_in_dim3A_534 = vector.broadcast %broadcast_in_dim3A_533 : vector<1x200xi32> to vector<6x200xi32>
    %eq3A_535 = arith.cmpi eq, %broadcast_in_dim3A_534, %iota3A : vector<6x200xi32>
    %convert_element_type3A_536 = arith.extui %eq3A_535 : vector<6x200xi1> to vector<6x200xi32>
    %convert_element_type3A_537 = arith.sitofp %convert_element_type3A_536 : vector<6x200xi32> to vector<6x200xf32>
    %dot_general3A_538 = arith.constant dense<0.000000e+00> : vector<200x64xf32>
    %dot_general3A_539 = tpu.matmul %convert_element_type3A_537, %get3A_9, %dot_general3A_538 {dimension_numbers = #tpu.dot_dimension_numbers<[0], [0], [1], [1], [0, 1, 1, 1], [], []>, transpose_lhs_hint = false} : vector<6x200xf32>, vector<6x64xf32>, vector<200x64xf32> -> vector<200x64xf32>
    %swap3A_540 = arith.constant 9600 : index
    %swap3A_541 = arith.constant 0 : index
    %swap3A_542 = vector.load %arg4[%swap3A_540, %swap3A_541] : memref<12800x64xf32, #tpu.memory_space<vmem>>, vector<200x64xf32>
    tpu.vector_store %arg4[%swap3A_540, %swap3A_541], %dot_general3A_539 {strides = array<i32>} : memref<12800x64xf32, #tpu.memory_space<vmem>>, vector<200x64xf32>,
    %slice3A_543 = vector.extract_strided_slice %add3A {offsets = [49, 0], sizes = [1, 200], strides = [1, 1]} : vector<64x200xi32> to vector<1x200xi32>
    %broadcast_in_dim3A_544 = vector.shape_cast %slice3A_543 : vector<1x200xi32> to vector<1x200xi32>
    %broadcast_in_dim3A_545 = vector.broadcast %broadcast_in_dim3A_544 : vector<1x200xi32> to vector<6x200xi32>
    %eq3A_546 = arith.cmpi eq, %broadcast_in_dim3A_545, %iota3A : vector<6x200xi32>
    %convert_element_type3A_547 = arith.extui %eq3A_546 : vector<6x200xi1> to vector<6x200xi32>
    %convert_element_type3A_548 = arith.sitofp %convert_element_type3A_547 : vector<6x200xi32> to vector<6x200xf32>
    %dot_general3A_549 = arith.constant dense<0.000000e+00> : vector<200x64xf32>
    %dot_general3A_550 = tpu.matmul %convert_element_type3A_548, %get3A_9, %dot_general3A_549 {dimension_numbers = #tpu.dot_dimension_numbers<[0], [0], [1], [1], [0, 1, 1, 1], [], []>, transpose_lhs_hint = false} : vector<6x200xf32>, vector<6x64xf32>, vector<200x64xf32> -> vector<200x64xf32>
    %swap3A_551 = arith.constant 9800 : index
    %swap3A_552 = arith.constant 0 : index
    %swap3A_553 = vector.load %arg4[%swap3A_551, %swap3A_552] : memref<12800x64xf32, #tpu.memory_space<vmem>>, vector<200x64xf32>
    tpu.vector_store %arg4[%swap3A_551, %swap3A_552], %dot_general3A_550 {strides = array<i32>} : memref<12800x64xf32, #tpu.memory_space<vmem>>, vector<200x64xf32>,
    %slice3A_554 = vector.extract_strided_slice %add3A {offsets = [50, 0], sizes = [1, 200], strides = [1, 1]} : vector<64x200xi32> to vector<1x200xi32>
    %broadcast_in_dim3A_555 = vector.shape_cast %slice3A_554 : vector<1x200xi32> to vector<1x200xi32>
    %broadcast_in_dim3A_556 = vector.broadcast %broadcast_in_dim3A_555 : vector<1x200xi32> to vector<6x200xi32>
    %eq3A_557 = arith.cmpi eq, %broadcast_in_dim3A_556, %iota3A : vector<6x200xi32>
    %convert_element_type3A_558 = arith.extui %eq3A_557 : vector<6x200xi1> to vector<6x200xi32>
    %convert_element_type3A_559 = arith.sitofp %convert_element_type3A_558 : vector<6x200xi32> to vector<6x200xf32>
    %dot_general3A_560 = arith.constant dense<0.000000e+00> : vector<200x64xf32>
    %dot_general3A_561 = tpu.matmul %convert_element_type3A_559, %get3A_9, %dot_general3A_560 {dimension_numbers = #tpu.dot_dimension_numbers<[0], [0], [1], [1], [0, 1, 1, 1], [], []>, transpose_lhs_hint = false} : vector<6x200xf32>, vector<6x64xf32>, vector<200x64xf32> -> vector<200x64xf32>
    %swap3A_562 = arith.constant 10000 : index
    %swap3A_563 = arith.constant 0 : index
    %swap3A_564 = vector.load %arg4[%swap3A_562, %swap3A_563] : memref<12800x64xf32, #tpu.memory_space<vmem>>, vector<200x64xf32>
    tpu.vector_store %arg4[%swap3A_562, %swap3A_563], %dot_general3A_561 {strides = array<i32>} : memref<12800x64xf32, #tpu.memory_space<vmem>>, vector<200x64xf32>,
    %slice3A_565 = vector.extract_strided_slice %add3A {offsets = [51, 0], sizes = [1, 200], strides = [1, 1]} : vector<64x200xi32> to vector<1x200xi32>
    %broadcast_in_dim3A_566 = vector.shape_cast %slice3A_565 : vector<1x200xi32> to vector<1x200xi32>
    %broadcast_in_dim3A_567 = vector.broadcast %broadcast_in_dim3A_566 : vector<1x200xi32> to vector<6x200xi32>
    %eq3A_568 = arith.cmpi eq, %broadcast_in_dim3A_567, %iota3A : vector<6x200xi32>
    %convert_element_type3A_569 = arith.extui %eq3A_568 : vector<6x200xi1> to vector<6x200xi32>
    %convert_element_type3A_570 = arith.sitofp %convert_element_type3A_569 : vector<6x200xi32> to vector<6x200xf32>
    %dot_general3A_571 = arith.constant dense<0.000000e+00> : vector<200x64xf32>
    %dot_general3A_572 = tpu.matmul %convert_element_type3A_570, %get3A_9, %dot_general3A_571 {dimension_numbers = #tpu.dot_dimension_numbers<[0], [0], [1], [1], [0, 1, 1, 1], [], []>, transpose_lhs_hint = false} : vector<6x200xf32>, vector<6x64xf32>, vector<200x64xf32> -> vector<200x64xf32>
    %swap3A_573 = arith.constant 10200 : index
    %swap3A_574 = arith.constant 0 : index
    %swap3A_575 = vector.load %arg4[%swap3A_573, %swap3A_574] : memref<12800x64xf32, #tpu.memory_space<vmem>>, vector<200x64xf32>
    tpu.vector_store %arg4[%swap3A_573, %swap3A_574], %dot_general3A_572 {strides = array<i32>} : memref<12800x64xf32, #tpu.memory_space<vmem>>, vector<200x64xf32>,
    %slice3A_576 = vector.extract_strided_slice %add3A {offsets = [52, 0], sizes = [1, 200], strides = [1, 1]} : vector<64x200xi32> to vector<1x200xi32>
    %broadcast_in_dim3A_577 = vector.shape_cast %slice3A_576 : vector<1x200xi32> to vector<1x200xi32>
    %broadcast_in_dim3A_578 = vector.broadcast %broadcast_in_dim3A_577 : vector<1x200xi32> to vector<6x200xi32>
    %eq3A_579 = arith.cmpi eq, %broadcast_in_dim3A_578, %iota3A : vector<6x200xi32>
    %convert_element_type3A_580 = arith.extui %eq3A_579 : vector<6x200xi1> to vector<6x200xi32>
    %convert_element_type3A_581 = arith.sitofp %convert_element_type3A_580 : vector<6x200xi32> to vector<6x200xf32>
    %dot_general3A_582 = arith.constant dense<0.000000e+00> : vector<200x64xf32>
    %dot_general3A_583 = tpu.matmul %convert_element_type3A_581, %get3A_9, %dot_general3A_582 {dimension_numbers = #tpu.dot_dimension_numbers<[0], [0], [1], [1], [0, 1, 1, 1], [], []>, transpose_lhs_hint = false} : vector<6x200xf32>, vector<6x64xf32>, vector<200x64xf32> -> vector<200x64xf32>
    %swap3A_584 = arith.constant 10400 : index
    %swap3A_585 = arith.constant 0 : index
    %swap3A_586 = vector.load %arg4[%swap3A_584, %swap3A_585] : memref<12800x64xf32, #tpu.memory_space<vmem>>, vector<200x64xf32>
    tpu.vector_store %arg4[%swap3A_584, %swap3A_585], %dot_general3A_583 {strides = array<i32>} : memref<12800x64xf32, #tpu.memory_space<vmem>>, vector<200x64xf32>,
    %slice3A_587 = vector.extract_strided_slice %add3A {offsets = [53, 0], sizes = [1, 200], strides = [1, 1]} : vector<64x200xi32> to vector<1x200xi32>
    %broadcast_in_dim3A_588 = vector.shape_cast %slice3A_587 : vector<1x200xi32> to vector<1x200xi32>
    %broadcast_in_dim3A_589 = vector.broadcast %broadcast_in_dim3A_588 : vector<1x200xi32> to vector<6x200xi32>
    %eq3A_590 = arith.cmpi eq, %broadcast_in_dim3A_589, %iota3A : vector<6x200xi32>
    %convert_element_type3A_591 = arith.extui %eq3A_590 : vector<6x200xi1> to vector<6x200xi32>
    %convert_element_type3A_592 = arith.sitofp %convert_element_type3A_591 : vector<6x200xi32> to vector<6x200xf32>
    %dot_general3A_593 = arith.constant dense<0.000000e+00> : vector<200x64xf32>
    %dot_general3A_594 = tpu.matmul %convert_element_type3A_592, %get3A_9, %dot_general3A_593 {dimension_numbers = #tpu.dot_dimension_numbers<[0], [0], [1], [1], [0, 1, 1, 1], [], []>, transpose_lhs_hint = false} : vector<6x200xf32>, vector<6x64xf32>, vector<200x64xf32> -> vector<200x64xf32>
    %swap3A_595 = arith.constant 10600 : index
    %swap3A_596 = arith.constant 0 : index
    %swap3A_597 = vector.load %arg4[%swap3A_595, %swap3A_596] : memref<12800x64xf32, #tpu.memory_space<vmem>>, vector<200x64xf32>
    tpu.vector_store %arg4[%swap3A_595, %swap3A_596], %dot_general3A_594 {strides = array<i32>} : memref<12800x64xf32, #tpu.memory_space<vmem>>, vector<200x64xf32>,
    %slice3A_598 = vector.extract_strided_slice %add3A {offsets = [54, 0], sizes = [1, 200], strides = [1, 1]} : vector<64x200xi32> to vector<1x200xi32>
    %broadcast_in_dim3A_599 = vector.shape_cast %slice3A_598 : vector<1x200xi32> to vector<1x200xi32>
    %broadcast_in_dim3A_600 = vector.broadcast %broadcast_in_dim3A_599 : vector<1x200xi32> to vector<6x200xi32>
    %eq3A_601 = arith.cmpi eq, %broadcast_in_dim3A_600, %iota3A : vector<6x200xi32>
    %convert_element_type3A_602 = arith.extui %eq3A_601 : vector<6x200xi1> to vector<6x200xi32>
    %convert_element_type3A_603 = arith.sitofp %convert_element_type3A_602 : vector<6x200xi32> to vector<6x200xf32>
    %dot_general3A_604 = arith.constant dense<0.000000e+00> : vector<200x64xf32>
    %dot_general3A_605 = tpu.matmul %convert_element_type3A_603, %get3A_9, %dot_general3A_604 {dimension_numbers = #tpu.dot_dimension_numbers<[0], [0], [1], [1], [0, 1, 1, 1], [], []>, transpose_lhs_hint = false} : vector<6x200xf32>, vector<6x64xf32>, vector<200x64xf32> -> vector<200x64xf32>
    %swap3A_606 = arith.constant 10800 : index
    %swap3A_607 = arith.constant 0 : index
    %swap3A_608 = vector.load %arg4[%swap3A_606, %swap3A_607] : memref<12800x64xf32, #tpu.memory_space<vmem>>, vector<200x64xf32>
    tpu.vector_store %arg4[%swap3A_606, %swap3A_607], %dot_general3A_605 {strides = array<i32>} : memref<12800x64xf32, #tpu.memory_space<vmem>>, vector<200x64xf32>,
    %slice3A_609 = vector.extract_strided_slice %add3A {offsets = [55, 0], sizes = [1, 200], strides = [1, 1]} : vector<64x200xi32> to vector<1x200xi32>
    %broadcast_in_dim3A_610 = vector.shape_cast %slice3A_609 : vector<1x200xi32> to vector<1x200xi32>
    %broadcast_in_dim3A_611 = vector.broadcast %broadcast_in_dim3A_610 : vector<1x200xi32> to vector<6x200xi32>
    %eq3A_612 = arith.cmpi eq, %broadcast_in_dim3A_611, %iota3A : vector<6x200xi32>
    %convert_element_type3A_613 = arith.extui %eq3A_612 : vector<6x200xi1> to vector<6x200xi32>
    %convert_element_type3A_614 = arith.sitofp %convert_element_type3A_613 : vector<6x200xi32> to vector<6x200xf32>
    %dot_general3A_615 = arith.constant dense<0.000000e+00> : vector<200x64xf32>
    %dot_general3A_616 = tpu.matmul %convert_element_type3A_614, %get3A_9, %dot_general3A_615 {dimension_numbers = #tpu.dot_dimension_numbers<[0], [0], [1], [1], [0, 1, 1, 1], [], []>, transpose_lhs_hint = false} : vector<6x200xf32>, vector<6x64xf32>, vector<200x64xf32> -> vector<200x64xf32>
    %swap3A_617 = arith.constant 11000 : index
    %swap3A_618 = arith.constant 0 : index
    %swap3A_619 = vector.load %arg4[%swap3A_617, %swap3A_618] : memref<12800x64xf32, #tpu.memory_space<vmem>>, vector<200x64xf32>
    tpu.vector_store %arg4[%swap3A_617, %swap3A_618], %dot_general3A_616 {strides = array<i32>} : memref<12800x64xf32, #tpu.memory_space<vmem>>, vector<200x64xf32>,
    %slice3A_620 = vector.extract_strided_slice %add3A {offsets = [56, 0], sizes = [1, 200], strides = [1, 1]} : vector<64x200xi32> to vector<1x200xi32>
    %broadcast_in_dim3A_621 = vector.shape_cast %slice3A_620 : vector<1x200xi32> to vector<1x200xi32>
    %broadcast_in_dim3A_622 = vector.broadcast %broadcast_in_dim3A_621 : vector<1x200xi32> to vector<6x200xi32>
    %eq3A_623 = arith.cmpi eq, %broadcast_in_dim3A_622, %iota3A : vector<6x200xi32>
    %convert_element_type3A_624 = arith.extui %eq3A_623 : vector<6x200xi1> to vector<6x200xi32>
    %convert_element_type3A_625 = arith.sitofp %convert_element_type3A_624 : vector<6x200xi32> to vector<6x200xf32>
    %dot_general3A_626 = arith.constant dense<0.000000e+00> : vector<200x64xf32>
    %dot_general3A_627 = tpu.matmul %convert_element_type3A_625, %get3A_9, %dot_general3A_626 {dimension_numbers = #tpu.dot_dimension_numbers<[0], [0], [1], [1], [0, 1, 1, 1], [], []>, transpose_lhs_hint = false} : vector<6x200xf32>, vector<6x64xf32>, vector<200x64xf32> -> vector<200x64xf32>
    %swap3A_628 = arith.constant 11200 : index
    %swap3A_629 = arith.constant 0 : index
    %swap3A_630 = vector.load %arg4[%swap3A_628, %swap3A_629] : memref<12800x64xf32, #tpu.memory_space<vmem>>, vector<200x64xf32>
    tpu.vector_store %arg4[%swap3A_628, %swap3A_629], %dot_general3A_627 {strides = array<i32>} : memref<12800x64xf32, #tpu.memory_space<vmem>>, vector<200x64xf32>,
    %slice3A_631 = vector.extract_strided_slice %add3A {offsets = [57, 0], sizes = [1, 200], strides = [1, 1]} : vector<64x200xi32> to vector<1x200xi32>
    %broadcast_in_dim3A_632 = vector.shape_cast %slice3A_631 : vector<1x200xi32> to vector<1x200xi32>
    %broadcast_in_dim3A_633 = vector.broadcast %broadcast_in_dim3A_632 : vector<1x200xi32> to vector<6x200xi32>
    %eq3A_634 = arith.cmpi eq, %broadcast_in_dim3A_633, %iota3A : vector<6x200xi32>
    %convert_element_type3A_635 = arith.extui %eq3A_634 : vector<6x200xi1> to vector<6x200xi32>
    %convert_element_type3A_636 = arith.sitofp %convert_element_type3A_635 : vector<6x200xi32> to vector<6x200xf32>
    %dot_general3A_637 = arith.constant dense<0.000000e+00> : vector<200x64xf32>
    %dot_general3A_638 = tpu.matmul %convert_element_type3A_636, %get3A_9, %dot_general3A_637 {dimension_numbers = #tpu.dot_dimension_numbers<[0], [0], [1], [1], [0, 1, 1, 1], [], []>, transpose_lhs_hint = false} : vector<6x200xf32>, vector<6x64xf32>, vector<200x64xf32> -> vector<200x64xf32>
    %swap3A_639 = arith.constant 11400 : index
    %swap3A_640 = arith.constant 0 : index
    %swap3A_641 = vector.load %arg4[%swap3A_639, %swap3A_640] : memref<12800x64xf32, #tpu.memory_space<vmem>>, vector<200x64xf32>
    tpu.vector_store %arg4[%swap3A_639, %swap3A_640], %dot_general3A_638 {strides = array<i32>} : memref<12800x64xf32, #tpu.memory_space<vmem>>, vector<200x64xf32>,
    %slice3A_642 = vector.extract_strided_slice %add3A {offsets = [58, 0], sizes = [1, 200], strides = [1, 1]} : vector<64x200xi32> to vector<1x200xi32>
    %broadcast_in_dim3A_643 = vector.shape_cast %slice3A_642 : vector<1x200xi32> to vector<1x200xi32>
    %broadcast_in_dim3A_644 = vector.broadcast %broadcast_in_dim3A_643 : vector<1x200xi32> to vector<6x200xi32>
    %eq3A_645 = arith.cmpi eq, %broadcast_in_dim3A_644, %iota3A : vector<6x200xi32>
    %convert_element_type3A_646 = arith.extui %eq3A_645 : vector<6x200xi1> to vector<6x200xi32>
    %convert_element_type3A_647 = arith.sitofp %convert_element_type3A_646 : vector<6x200xi32> to vector<6x200xf32>
    %dot_general3A_648 = arith.constant dense<0.000000e+00> : vector<200x64xf32>
    %dot_general3A_649 = tpu.matmul %convert_element_type3A_647, %get3A_9, %dot_general3A_648 {dimension_numbers = #tpu.dot_dimension_numbers<[0], [0], [1], [1], [0, 1, 1, 1], [], []>, transpose_lhs_hint = false} : vector<6x200xf32>, vector<6x64xf32>, vector<200x64xf32> -> vector<200x64xf32>
    %swap3A_650 = arith.constant 11600 : index
    %swap3A_651 = arith.constant 0 : index
    %swap3A_652 = vector.load %arg4[%swap3A_650, %swap3A_651] : memref<12800x64xf32, #tpu.memory_space<vmem>>, vector<200x64xf32>
    tpu.vector_store %arg4[%swap3A_650, %swap3A_651], %dot_general3A_649 {strides = array<i32>} : memref<12800x64xf32, #tpu.memory_space<vmem>>, vector<200x64xf32>,
    %slice3A_653 = vector.extract_strided_slice %add3A {offsets = [59, 0], sizes = [1, 200], strides = [1, 1]} : vector<64x200xi32> to vector<1x200xi32>
    %broadcast_in_dim3A_654 = vector.shape_cast %slice3A_653 : vector<1x200xi32> to vector<1x200xi32>
    %broadcast_in_dim3A_655 = vector.broadcast %broadcast_in_dim3A_654 : vector<1x200xi32> to vector<6x200xi32>
    %eq3A_656 = arith.cmpi eq, %broadcast_in_dim3A_655, %iota3A : vector<6x200xi32>
    %convert_element_type3A_657 = arith.extui %eq3A_656 : vector<6x200xi1> to vector<6x200xi32>
    %convert_element_type3A_658 = arith.sitofp %convert_element_type3A_657 : vector<6x200xi32> to vector<6x200xf32>
    %dot_general3A_659 = arith.constant dense<0.000000e+00> : vector<200x64xf32>
    %dot_general3A_660 = tpu.matmul %convert_element_type3A_658, %get3A_9, %dot_general3A_659 {dimension_numbers = #tpu.dot_dimension_numbers<[0], [0], [1], [1], [0, 1, 1, 1], [], []>, transpose_lhs_hint = false} : vector<6x200xf32>, vector<6x64xf32>, vector<200x64xf32> -> vector<200x64xf32>
    %swap3A_661 = arith.constant 11800 : index
    %swap3A_662 = arith.constant 0 : index
    %swap3A_663 = vector.load %arg4[%swap3A_661, %swap3A_662] : memref<12800x64xf32, #tpu.memory_space<vmem>>, vector<200x64xf32>
    tpu.vector_store %arg4[%swap3A_661, %swap3A_662], %dot_general3A_660 {strides = array<i32>} : memref<12800x64xf32, #tpu.memory_space<vmem>>, vector<200x64xf32>,
    %slice3A_664 = vector.extract_strided_slice %add3A {offsets = [60, 0], sizes = [1, 200], strides = [1, 1]} : vector<64x200xi32> to vector<1x200xi32>
    %broadcast_in_dim3A_665 = vector.shape_cast %slice3A_664 : vector<1x200xi32> to vector<1x200xi32>
    %broadcast_in_dim3A_666 = vector.broadcast %broadcast_in_dim3A_665 : vector<1x200xi32> to vector<6x200xi32>
    %eq3A_667 = arith.cmpi eq, %broadcast_in_dim3A_666, %iota3A : vector<6x200xi32>
    %convert_element_type3A_668 = arith.extui %eq3A_667 : vector<6x200xi1> to vector<6x200xi32>
    %convert_element_type3A_669 = arith.sitofp %convert_element_type3A_668 : vector<6x200xi32> to vector<6x200xf32>
    %dot_general3A_670 = arith.constant dense<0.000000e+00> : vector<200x64xf32>
    %dot_general3A_671 = tpu.matmul %convert_element_type3A_669, %get3A_9, %dot_general3A_670 {dimension_numbers = #tpu.dot_dimension_numbers<[0], [0], [1], [1], [0, 1, 1, 1], [], []>, transpose_lhs_hint = false} : vector<6x200xf32>, vector<6x64xf32>, vector<200x64xf32> -> vector<200x64xf32>
    %swap3A_672 = arith.constant 12000 : index
    %swap3A_673 = arith.constant 0 : index
    %swap3A_674 = vector.load %arg4[%swap3A_672, %swap3A_673] : memref<12800x64xf32, #tpu.memory_space<vmem>>, vector<200x64xf32>
    tpu.vector_store %arg4[%swap3A_672, %swap3A_673], %dot_general3A_671 {strides = array<i32>} : memref<12800x64xf32, #tpu.memory_space<vmem>>, vector<200x64xf32>,
    %slice3A_675 = vector.extract_strided_slice %add3A {offsets = [61, 0], sizes = [1, 200], strides = [1, 1]} : vector<64x200xi32> to vector<1x200xi32>
    %broadcast_in_dim3A_676 = vector.shape_cast %slice3A_675 : vector<1x200xi32> to vector<1x200xi32>
    %broadcast_in_dim3A_677 = vector.broadcast %broadcast_in_dim3A_676 : vector<1x200xi32> to vector<6x200xi32>
    %eq3A_678 = arith.cmpi eq, %broadcast_in_dim3A_677, %iota3A : vector<6x200xi32>
    %convert_element_type3A_679 = arith.extui %eq3A_678 : vector<6x200xi1> to vector<6x200xi32>
    %convert_element_type3A_680 = arith.sitofp %convert_element_type3A_679 : vector<6x200xi32> to vector<6x200xf32>
    %dot_general3A_681 = arith.constant dense<0.000000e+00> : vector<200x64xf32>
    %dot_general3A_682 = tpu.matmul %convert_element_type3A_680, %get3A_9, %dot_general3A_681 {dimension_numbers = #tpu.dot_dimension_numbers<[0], [0], [1], [1], [0, 1, 1, 1], [], []>, transpose_lhs_hint = false} : vector<6x200xf32>, vector<6x64xf32>, vector<200x64xf32> -> vector<200x64xf32>
    %swap3A_683 = arith.constant 12200 : index
    %swap3A_684 = arith.constant 0 : index
    %swap3A_685 = vector.load %arg4[%swap3A_683, %swap3A_684] : memref<12800x64xf32, #tpu.memory_space<vmem>>, vector<200x64xf32>
    tpu.vector_store %arg4[%swap3A_683, %swap3A_684], %dot_general3A_682 {strides = array<i32>} : memref<12800x64xf32, #tpu.memory_space<vmem>>, vector<200x64xf32>,
    %slice3A_686 = vector.extract_strided_slice %add3A {offsets = [62, 0], sizes = [1, 200], strides = [1, 1]} : vector<64x200xi32> to vector<1x200xi32>
    %broadcast_in_dim3A_687 = vector.shape_cast %slice3A_686 : vector<1x200xi32> to vector<1x200xi32>
    %broadcast_in_dim3A_688 = vector.broadcast %broadcast_in_dim3A_687 : vector<1x200xi32> to vector<6x200xi32>
    %eq3A_689 = arith.cmpi eq, %broadcast_in_dim3A_688, %iota3A : vector<6x200xi32>
    %convert_element_type3A_690 = arith.extui %eq3A_689 : vector<6x200xi1> to vector<6x200xi32>
    %convert_element_type3A_691 = arith.sitofp %convert_element_type3A_690 : vector<6x200xi32> to vector<6x200xf32>
    %dot_general3A_692 = arith.constant dense<0.000000e+00> : vector<200x64xf32>
    %dot_general3A_693 = tpu.matmul %convert_element_type3A_691, %get3A_9, %dot_general3A_692 {dimension_numbers = #tpu.dot_dimension_numbers<[0], [0], [1], [1], [0, 1, 1, 1], [], []>, transpose_lhs_hint = false} : vector<6x200xf32>, vector<6x64xf32>, vector<200x64xf32> -> vector<200x64xf32>
    %swap3A_694 = arith.constant 12400 : index
    %swap3A_695 = arith.constant 0 : index
    %swap3A_696 = vector.load %arg4[%swap3A_694, %swap3A_695] : memref<12800x64xf32, #tpu.memory_space<vmem>>, vector<200x64xf32>
    tpu.vector_store %arg4[%swap3A_694, %swap3A_695], %dot_general3A_693 {strides = array<i32>} : memref<12800x64xf32, #tpu.memory_space<vmem>>, vector<200x64xf32>,
    %slice3A_697 = vector.extract_strided_slice %add3A {offsets = [63, 0], sizes = [1, 200], strides = [1, 1]} : vector<64x200xi32> to vector<1x200xi32>
    %broadcast_in_dim3A_698 = vector.shape_cast %slice3A_697 : vector<1x200xi32> to vector<1x200xi32>
    %broadcast_in_dim3A_699 = vector.broadcast %broadcast_in_dim3A_698 : vector<1x200xi32> to vector<6x200xi32>
    %eq3A_700 = arith.cmpi eq, %broadcast_in_dim3A_699, %iota3A : vector<6x200xi32>
    %convert_element_type3A_701 = arith.extui %eq3A_700 : vector<6x200xi1> to vector<6x200xi32>
    %convert_element_type3A_702 = arith.sitofp %convert_element_type3A_701 : vector<6x200xi32> to vector<6x200xf32>
    %dot_general3A_703 = arith.constant dense<0.000000e+00> : vector<200x64xf32>
    %dot_general3A_704 = tpu.matmul %convert_element_type3A_702, %get3A_9, %dot_general3A_703 {dimension_numbers = #tpu.dot_dimension_numbers<[0], [0], [1], [1], [0, 1, 1, 1], [], []>, transpose_lhs_hint = false} : vector<6x200xf32>, vector<6x64xf32>, vector<200x64xf32> -> vector<200x64xf32>
    %swap3A_705 = arith.constant 12600 : index
    %swap3A_706 = arith.constant 0 : index
    %swap3A_707 = vector.load %arg4[%swap3A_705, %swap3A_706] : memref<12800x64xf32, #tpu.memory_space<vmem>>, vector<200x64xf32>
    tpu.vector_store %arg4[%swap3A_705, %swap3A_706], %dot_general3A_704 {strides = array<i32>} : memref<12800x64xf32, #tpu.memory_space<vmem>>, vector<200x64xf32>,
    return
  }
  func.func @transform_0(%arg0: i32) -> (i32, i32) {
    %c0_i32 = arith.constant 0 : i32
    %c0_i32_0 = arith.constant 0 : i32
    return %arg0, %c0_i32 : i32, i32
  }
  func.func @transform_1(%arg0: i32) -> (i32, i32) {
    %c0_i32 = arith.constant 0 : i32
    %c0_i32_0 = arith.constant 0 : i32
    return %arg0, %c0_i32 : i32, i32
  }
  func.func @transform_2(%arg0: i32) -> (i32, i32) {
    %c0_i32 = arith.constant 0 : i32
    %c0_i32_0 = arith.constant 0 : i32
    %c0_i32_1 = arith.constant 0 : i32
    return %c0_i32, %c0_i32_0 : i32, i32
  }
  func.func @transform_3(%arg0: i32) -> (i32, i32) {
    %c0_i32 = arith.constant 0 : i32
    %c0_i32_0 = arith.constant 0 : i32
    return %arg0, %c0_i32 : i32, i32
  }
}

</mosaic_0001>

<sc_bundles>
// kernel: kernel.4.cloned.1.call-start
scs
__scs_entry_jumppad:
0x0: {  	(pc) =	sbr.rel $0x88, $3  }
0x1: {  	(tag) =	ssettag $0x0;
	lr =	simm.s32 $0x1  }
0x2: {  	[smem:$0x3F9E] =	sst lr;
	_ =	strace $0xD0000000  }
0x3: {  	_ = 	snop  }
0x4: {  	_ = 	snop  }
0x5: {  	_ = 	snop  }
0x6: {  	_ = 	snop  }
0x7: {  	_ = 	snop  }
__scs_overlays_trampoline_lowered:
0x8: {  	[smem:$0x3FAD] =	sst s0  }
0x9: {  	[smem:$0x3FAE] =	sst s1  }
0xa: {  	[smem:$0x3FAF] =	sst s2  }
0xb: {  	[smem:$0x3FB0] =	sst s3  }
0xc: {  	[smem:$0x3FB1] =	sst s4  }
0xd: {  	[smem:$0x3FB2] =	sst s5  }
0xe: {  	[smem:$0x3FB3] =	sst s6  }
0xf: {  	[smem:$0x3FB4] =	sst s7  }
0x10: {  	[smem:$0x3FB5] =	sst s8  }
0x11: {  	[smem:$0x3FB6] =	sst s9;
	s0 =	simm.s32 @!p0 $0x0  }
0x12: {  	s1 =	sld [smem:$0x3F9C];
	s0 =	simm.s32 @p0 $0x1  }
0x13: {  	[smem:$0x3FB7] =	sst s0;
	s0 =	simm.s32 @!p1 $0x0  }
0x14: {  	s2 =	sld [smem:$0x3F9B];
	s0 =	simm.s32 @p1 $0x1  }
0x15: {  	[smem:$0x3FB8] =	sst s0;
	s0 =	simm.s32 @!p2 $0x0  }
0x16: {  	s3 =	sld [smem:$0x3FDB];
	s0 =	simm.s32 @p2 $0x1  }
0x17: {  	s4 =	simm.s32 $0x1BF5;
	[smem:$0x3FBA] =	sst s0  }
0x18: {  	s0 =	sld [smem:$0x3F9D];
	_ =	swait.ge [sflag:s4], $0x0  }
0x19: {  	s7 =	sld [smem:$0x3F9E]  }
0x1a: {  	s8 =	sadd.s32 $0xFFFFE003, lr  }
0x1b: {  	s9 =	sadd.s32 $0xFFFFFEF7, lr;
	s5 =	simm.s32 $0xFFFFFFFF;
	p2 =	slt.u32 s8, $0xFFFFF086  }
0x1c: {  	p1 =	slt.u32 s9, $0xF7A;
	s5 =	simm.s32 @!p2 $0x0  }
0x1d: {  	s5 =	simm.s32 @p1 $0x1;
	p0 =	seq.s32 s7, s2  }
0x1e: {  	s7 =	smul.u32 @!p0 $0xF7A, s2;
	p2 =	seq.s32 @!p0 s5, $0x0  }
0x1f: {  	s9 =	smul.u32 $0xF7A, s1;
	s8 =	simm.s32 @!p0 $0x1BF5;
	p2 =	por !p2, p0  }
0x20: {  	[sflag:s8] =	ssyncset.s32 @!p0 $0xFFFFF086;
	s6 =	sadd.s32 @!p0 s3, s7;
	s7 =	simm.s32 @!p0 $0x108  }
0x21: {  	s3 =	sadd.s32 s3, s9;
	s6 =	sadd.s32 @!p0 $0x88, s6;
	s7 =	simm.s32 @p2 $0x1082  }
0x22: {  	[simem:s7], [sflag:s8] =	dma.local @!p0 [hbm:s6], $0xF7A  }
0x23: {  	s9 =	sor.u32 $0xD0000000, s2;
	s6 =	simm.s32 $0x108;
	_ =	swait.ge @!p0 [sflag:s8], $0x0  }
0x24: {  	s3 =	sadd.s32 $0x88, s3;
	s6 =	simm.s32 @!p1 $0x1082;
	[sflag:s4] =	ssyncset.s32 $0xFFFFF086  }
0x25: {  	[simem:s6], [sflag:s4] =	dma.local [hbm:s3], $0xF7A  }
0x26: {  	[smem:$0x3F9E] =	sst s1;
	(tag) =	ssettag s2;
	_ =	strace s9  }
0x27: {  	s1 =	sld [smem:$0x3FAE]  }
0x28: {  	s2 =	sld [smem:$0x3FAF]  }
0x29: {  	s4 =	sld [smem:$0x3FB1]  }
0x2a: {  	p0 =	seq.s32 s5, $0x0;
	s5 =	sld [smem:$0x3FB2]  }
0x2b: {  	s6 =	sld [smem:$0x3FB3]  }
0x2c: {  	s7 =	sld [smem:$0x3FB4]  }
0x2d: {  	s3 =	simm.s32 $0x108;
	s8 =	sld [smem:$0x3FB5]  }
0x2e: {  	s3 =	simm.s32 @!p0 $0x1082;
	s9 =	sld [smem:$0x3FB6]  }
0x2f: {  	lr =	sadd.s32 s0, s3;
	s0 =	sld [smem:$0x3FAD]  }
0x30: {  	s3 =	sld [smem:$0x3FB0]  }
0x31: {  	[smem:$0x3FB9] =	sst s10  }
0x32: {  	s10 =	sld [smem:$0x3FB7];
	_ =	sdelay $0x3  }
0x33: {  	p0 =	seq.s32 s10, $0x1;
	s10 =	sld [smem:$0x3FB9];
	_ =	sdelay $0x3  }
0x34: {  	[smem:$0x3FB9] =	sst s10  }
0x35: {  	s10 =	sld [smem:$0x3FB8];
	_ =	sdelay $0x3  }
0x36: {  	p1 =	seq.s32 s10, $0x1;
	s10 =	sld [smem:$0x3FB9];
	_ =	sdelay $0x3  }
0x37: {  	[smem:$0x3FB9] =	sst s10  }
0x38: {  	s10 =	sld [smem:$0x3FBA]  }
0x39: {  	_ = 	snop;
	(pc) =	sbr.ind lr, $3  }
0x3a: {  	_ = 	snop  }
0x3b: {  	_ = 	snop  }
0x3c: {  	p2 =	seq.s32 s10, $0x1;
	s10 =	sld [smem:$0x3FB9]  }
0x3d: {  	_ =	shalt  }
0x3e: {  	_ =	shalt  }
0x3f: {  	_ =	shalt  }
0x40: {  	_ =	shalt  }
0x41: {  	_ =	shalt  }
0x42: {  	_ =	shalt  }
0x43: {  	_ =	shalt  }
0x44: {  	_ =	shalt  }
0x45: {  	_ =	shalt  }
0x46: {  	_ =	shalt  }
0x47: {  	_ =	shalt  }
0x48: {  	_ =	shalt  }
0x49: {  	_ =	shalt  }
0x4a: {  	_ =	shalt  }
0x4b: {  	_ =	shalt  }
0x4c: {  	_ =	shalt  }
0x4d: {  	_ =	shalt  }
0x4e: {  	_ =	shalt  }
0x4f: {  	_ =	shalt  }
0x50: {  	_ =	shalt  }
0x51: {  	_ =	shalt  }
0x52: {  	_ =	shalt  }
0x53: {  	_ =	shalt  }
0x54: {  	_ =	shalt  }
0x55: {  	_ =	shalt  }
0x56: {  	_ =	shalt  }
0x57: {  	_ =	shalt  }
0x58: {  	_ =	shalt  }
0x59: {  	_ =	shalt  }
0x5a: {  	_ =	shalt  }
0x5b: {  	_ =	shalt  }
0x5c: {  	_ =	shalt  }
0x5d: {  	_ =	shalt  }
0x5e: {  	_ =	shalt  }
0x5f: {  	_ =	shalt  }
0x60: {  	_ =	shalt  }
0x61: {  	_ =	shalt  }
0x62: {  	_ =	shalt  }
0x63: {  	_ =	shalt  }
0x64: {  	_ =	shalt  }
0x65: {  	_ =	shalt  }
0x66: {  	_ =	shalt  }
0x67: {  	_ =	shalt  }
0x68: {  	_ =	shalt  }
0x69: {  	_ =	shalt  }
0x6a: {  	_ =	shalt  }
0x6b: {  	_ =	shalt  }
0x6c: {  	_ =	shalt  }
0x6d: {  	_ =	shalt  }
0x6e: {  	_ =	shalt  }
0x6f: {  	_ =	shalt  }
0x70: {  	_ =	shalt  }
0x71: {  	_ =	shalt  }
0x72: {  	_ =	shalt  }
0x73: {  	_ =	shalt  }
0x74: {  	_ =	shalt  }
0x75: {  	_ =	shalt  }
0x76: {  	_ =	shalt  }
0x77: {  	_ =	shalt  }
0x78: {  	_ =	shalt  }
0x79: {  	_ =	shalt  }
0x7a: {  	_ =	shalt  }
0x7b: {  	_ =	shalt  }
0x7c: {  	_ =	shalt  }
0x7d: {  	_ =	shalt  }
0x7e: {  	_ =	shalt  }
0x7f: {  	_ =	shalt  }
0x80: {  	_ =	shalt  }
0x81: {  	_ =	shalt  }
0x82: {  	_ =	shalt  }
0x83: {  	_ =	shalt  }
0x84: {  	_ =	shalt  }
0x85: {  	_ =	shalt  }
0x86: {  	_ =	shalt  }
0x87: {  	_ =	shalt  }
.Lfunc_end0:
.L_simem_size_0:
called_computation.2_lowered:
.L_overlay_start_0:
0x88: {  	s2 =	sld [smem:$0x3FD9]  }
0x89: {  	s3 =	sld [smem:$0x3FFE];
	_ =	sdelay $0x1  }
0x8a: {  	s1 =	srdreg.scid  }
0x8b: {  	s0 =	sand.u32 $0x1, s1  }
0x8c: {  	s16 =	sshll.u32 s0, $0xA;
	s2 =	sadd.s32 s3, s2  }
0x8d: {  	s2 =	sadd.s32 s2, s16  }
0x8e: {  	[smem:$0x3FC5] =	sst s2  }
0x8f: {  	_ = 	snop  }
0x90: {  	(tm) =	ssettm $0x1  }
0x91: {  	s17 =	sld [smem:$0x3FFB];
	_ =	sdelay $0x3  }
0x92: {  	_ =	strace s17  }
0x93: {  	s2 =	sld [smem:$0x3FFC];
	_ =	sdelay $0x3  }
0x94: {  	_ =	strace s2  }
0x95: {  	s2 =	sld [smem:$0x3FFD];
	_ =	sdelay $0x3  }
0x96: {  	_ =	strace s2  }
0x97: {  	_ =	strace $0x8FFFFFFF  }
0x98: {  	s18 =	sld [smem:$0x3FDB];
	_ =	sdelay $0x1  }
0x99: {  	s19 =	simm.s32 $_scs_section_size  }
0x9a: {  	s4 =	simm.s32 $_size__tile_overlayer_lowered;
	s5 =	simm.s32 $_tile_overlayer_lowered  }
0x9b: {  	s22 =	simm.s32 $0x1BFF;
	s21 =	sshll.u32 s5, $0x1;
	s2 =	sadd.s32 s19, s18  }
0x9c: {  	s6 =	simm.s32 $0x0;
	s20 =	sshll.u32 s4, $0x1;
	s4 =	sadd.s32 s21, s2  }
0x9d: {  	[timem:s6], [sflag:s22] =	dma.local [hbm:s4], s20  }
0x9e: {  	_ =	swait.ge [sflag:s22], s20  }
0x9f: {  	s3 =	ssub.s32 $0x0, s20;
	[sflag:s22] =	ssyncset.done $0x0  }
0xa0: {  	[sflag:s22] =	ssyncadd.s32 s3;
	_ =	sdelay $0x1  }
0xa1: {  	s23 =	simm.s32 $0x1B8B  }
0xa2: {  	_ =	swait.ge [sflag:s23], $0x1  }
0xa3: {  	[sflag:s23] =	ssyncset.done $0x0  }
0xa4: {  	s25 =	simm.s32 $0x1B8E;
	s24 =	sld [smem:$0x3FFE];
	[sflag:s23] =	ssyncadd.s32 $0xFFFFFFFF  }
0xa5: {  	s26 =	simm.s32 $execute0_lowered;
	[smem:$0x3FD2] =	sst s25  }
0xa6: {  	s4 =	sshll.u32 s26, $0x1;
	_ =	strace $0x80000046;
	[dreg:$0x1] =	wrdreg $0xFFFFFFFF  }
0xa7: {  	s28 =	simm.s32 $_size_execute0_lowered;
	s2 =	sadd.s32 s2, s4;
	[dreg:$0x0] =	wrdreg $0x0  }
0xa8: {  	s4 =	sshll.u32 s28, $0x1;
	[dreg:$0x2] =	wrdreg s2  }
0xa9: {  	[dreg:$0x3] =	wrdreg s4  }
0xaa: {  	[dreg:$0x4] =	wrdreg $0xC0  }
0xab: {  	_ =	task [dreg:s6], $0x5FFFF  }
0xac: {  	[dreg:$0x1] =	wrdreg $0xFFFFFFFF  }
0xad: {  	[dreg:$0x0] =	wrdreg $0x60  }
0xae: {  	[dreg:$0x2] =	wrdreg s24  }
0xaf: {  	[dreg:$0x3] =	wrdreg $0xA  }
0xb0: {  	_ =	task.clear_ibuf [dreg:s6], $0x4FFFF;
	_ =	strace $0x90000046  }
0xb1: {  	s29 =	simm.s32 $0xA;
	_ =	strace $0x80000048  }
0xb2: {  	_ =	swait.ge [sflag:s29], $0x1  }
0xb3: {  	[sflag:s29] =	ssyncadd.s32 $0xFFFFFFFF  }
0xb4: {  	_ =	strace $0x90000048  }
0xb5: {  	_ =	sfence  }
0xb6: {  	s30 =	sld [smem:$0x0];
	_ =	sdelay $0x2  }
0xb7: {  	s31 =	sshll.u32 s1, $0xD;
	s1 =	sshrl.u32 s1, $0x2  }
0xb8: {  	s3 =	sand.u32 $0x4000, s31;
	s1 =	sadd.s32 s1, s30  }
0xb9: {  	s0 =	sor.u32 s3, s0;
	s1 =	sshll.u32 s1, $0x11  }
0xba: {  	s0 =	sor.u32 s1, s0  }
0xbb: {  	s0 =	sadd.s32 $0x8F2B, s0  }
0xbc: {  	[sflag:s0] =	ssyncadd.remote.s32 $0x1  }
0xbd: {  	_ =	sfence.sel $0xFFFF  }
0xbe: {  	[dreg:$0x0] =	wrdreg $0xFFFFFFFF;
	(pc) =	sbr.abs _section_cstart, $3  }
0xbf: {  	[dreg:$0x1] =	wrdreg $0xFFFFFFFF  }
0xc0: {  	_ =	task.clear_ibuf [dreg:s6], $0x2FFFF;
	_ =	strace $0x9FFFFFFF  }
0xc1: {  	(tm) =	ssettm $0x7FFFFFFF  }
tec
execute0_lowered:
.L_overlay_start_1:
0x0: {  	(tag) =	ssettag $0x1  }
0x1: {  	s8 =	rddreg [dreg:$0x0]  }
0x2: {  	s0 =	rddreg [dreg:$0x1]  }
0x3: {  	s1 =	simm.s32 $0x0;
	s2 =	srdreg.scid;
	s12 =	simm.s32 $0x80  }
0x4: {  	s13 =	simm.s32 $0x200;
	s14 =	simm.s32 $0x300;
	s15 =	simm.s32 $0x280  }
0x5: {  	s16 =	simm.s32 $0x4300;
	s17 =	simm.s32 $0x1;
	s18 =	simm.s32 $0x2  }
0x6: {  	s19 =	simm.s32 $0x3;
	s20 =	simm.s32 $0x4;
	s21 =	simm.s32 $0x0  }
0x7: {  	[smem:$0x7FF] =	sst s1;
	s3 =	sadd.s32 $0x2800, s8;
	s7 =	sand.u32 $0x1, s2  }
0x8: {  	s4 =	sadd.s32 $0x8C00, s8;
	s2 =	stileid.u32;
	s5 =	sadd.s32 $0xF000, s8  }
0x9: {  	s6 =	sadd.s32 $0xF400, s8;
	s8 =	sadd.s32 $0xFC00, s8;
	s9 =	ssub.s32 $0x2, s7  }
0xa: {  	_ =	strace $0x80000047;
	s11 =	sshll.u32 s2, $0x1;
	s10 =	sshrl.u32 s9, $0x1  }
0xb: {  	s7 =	sor.u32 s7, s11;
	s11 =	simm.s32 $0x100;
	s9 =	ssub.s32 s9, s10  }
0xc: {  	s7 =	smul.u32 $0x1900, s7;
	s10 =	simm.s32 $0x5;
	s9 =	smax.u32 s9, $0x1  }
.LBB2_1:
0xd: {  	s22 =	simm.s32 $0x0  }
.LBB2_2:
0xe: {  	s23 =	sshll.u32 s22, $0x8  }
0xf: {  	s23 =	sadd.s32 s7, s23  }
0x10: {  	s24 =	sshrl.u32 s23, $0x3  }
0x11: {  	s26 =	simm.s32 $0x0;
	s25 =	sadd.s32 s3, s24  }
0x12: {  	[tilespmem:s26], [sflag:$0x5] =	stream.linear.gather [hbm4b:s25+s26], $0x100, $0x38;
	[tilespmem:$0x8300] =	vst v63  }
0x13: {  	_ =	swait.ge [sflag:s10], $0x100  }
0x14: {  	[sflag:s10] =	ssyncset.done $0x0  }
0x15: {  	s24 =	sadd.s32 s4, s24;
	[sflag:s10] =	ssyncadd.s32 $0xFFFFFF00  }
0x16: {  	[tilespmem:s11], [sflag:$0x5] =	stream.linear.gather [hbm4b:s24+s26], $0x100, $0x38;
	[tilespmem:$0x8300] =	vst v63  }
0x17: {  	_ =	swait.ge [sflag:s10], $0x100  }
0x18: {  	[sflag:s10] =	ssyncset.done $0x0  }
0x19: {  	s24 =	simm.s32 $0x0;
	[sflag:s10] =	ssyncadd.s32 $0xFFFFFF00  }
0x1a: {  	v0 =	vld [tilespmem:s24+$0x0]  }
0x1b: {  	v1 =	vld [tilespmem:s24+$0x100];
	_ =	sdelay $0x3  }
0x1c: {  	v2 =	vshll.u32 v0, $0x1  }
0x1d: {  	s25 =	simm.s32 $0x10;
	v3 =	vand.u32 $0xFFFF, v1;
	v0 =	vshra.s32 v0, $0xF;
	v2 =	vand.u32 $0x1FFFE, v2  }
0x1e: {  	v1 =	vshra.s32 v1, $0x10;
	v2 =	vadd.s32 v3, v2;
	v3 =	vand.u32 $0xFFFFFFFE, v0;
	v0 =	vld [tilespmem:s25+$0x0]  }
0x1f: {  	v3 =	vadd.s32 v1, v3;
	v1 =	vld [tilespmem:s25+$0x100]  }
0x20: {  	v2 =	vmul.u32 $0x6, v2;
	_ =	sdelay $0x1  }
0x21: {  	s26 =	simm.s32 $0x80;
	v2 =	vadd.s32 v2, v3  }
.LBB2_3:
0x22: {  	s28 =	sshra.s32 s26, $0x2;
	p0 =	sne.s32 s26, $0x3C0;
	s26 =	sadd.s32 $0x40, s26;
	v3 =	vshll.u32 v0, $0x1;
	[tilespmem:s24+$0x200] =	vst v2;
	v2 =	vmov v0  }
.Ltmp0:
0x23: {  	s24 =	smov.u32 s25;
	v0 =	vld [tilespmem:s28+$0x0];
	v3 =	vand.u32 $0x1FFFE, v3;
	v4 =	vand.u32 $0xFFFF, v1;
	v5 =	vmov v1;
	s25 =	smov.u32 s28;
	(pc) =	sbr.rel @p0 .LBB2_3-.Ltmp0, $4  }
0x24: {  	v2 =	vshra.s32 v2, $0xF;
	v1 =	vld [tilespmem:s25+$0x100];
	v3 =	vadd.s32 v4, v3  }
0x25: {  	v2 =	vand.u32 $0xFFFFFFFE, v2;
	v4 =	vshra.s32 v5, $0x10;
	v3 =	vmul.u32 $0x6, v3  }
0x26: {  	v2 =	vadd.s32 v4, v2  }
0x27: {  	v2 =	vadd.s32 v3, v2  }
0x28: {  	v3 =	vshll.u32 v0, $0x1  }
0x29: {  	v3 =	vand.u32 $0x1FFFE, v3;
	v4 =	vand.u32 $0xFFFF, v1  }
0x2a: {  	v62 =	vshra.s32 v0, $0xF;
	v3 =	vadd.s32 v4, v3  }
0x2b: {  	v0 =	vand.u32 $0xFFFFFFFE, v62;
	v63 =	vshra.s32 v1, $0x10;
	v3 =	vmul.u32 $0x6, v3  }
0x2c: {  	v0 =	vadd.s32 v63, v0  }
0x2d: {  	[tilespmem:s24+$0x200] =	vst v2;
	v0 =	vadd.s32 v3, v0  }
0x2e: {  	[tilespmem:s25+$0x200] =	vst v0  }
0x2f: {  	[tilespmem:s14], [sflag:$0x1] =	stream.indirect.gather [hbm4b:s5+s12], $0x80, s13, s12, $0xb8;
	[tilespmem:$0x8300] =	vst v63  }
0x30: {  	_ = 	snop  }
0x31: {  	[tilespmem:s16], [sflag:$0x2] =	stream.indirect.gather [hbm4b:s5+s12], $0x80, s15, s12, $0xb8;
	[tilespmem:$0x8300] =	vst v63  }
0x32: {  	_ =	swait.ge [sflag:s17], $0x4000  }
0x33: {  	s23 =	sshll.u32 s23, $0x4;
	[sflag:s17] =	ssyncset.done $0x0  }
0x34: {  	s31 =	sadd.s32 s6, s23;
	[sflag:s17] =	ssyncadd.s32 $0xFFFFC000  }
0x35: {  	[hbm4b:s31+s1] =	stream.linear.scatter [tilespmem:s14], [sflag:$0x3], $0x4000, $0x38;
	[tilespmem:$0x8300] =	vst v63  }
0x36: {  	_ =	swait.ge [sflag:s18], $0x4000  }
0x37: {  	[sflag:s18] =	ssyncset.done $0x0  }
0x38: {  	s22 =	sadd.s32 $0x1, s22;
	s23 =	sadd.s32 s23, s8;
	[sflag:s18] =	ssyncadd.s32 $0xFFFFC000  }
0x39: {  	[hbm4b:s23+s1] =	stream.linear.scatter [tilespmem:s16], [sflag:$0x4], $0x4000, $0x38;
	[tilespmem:$0x8300] =	vst v63  }
0x3a: {  	p0 =	sne.s32 s22, $0x19;
	_ =	swait.ge [sflag:s19], $0x4000  }
.Ltmp1:
0x3b: {  	[sflag:s19] =	ssyncset.done $0x0;
	(pc) =	sbr.rel @p0 .LBB2_2-.Ltmp1, $4  }
0x3c: {  	[sflag:s19] =	ssyncadd.s32 $0xFFFFC000  }
0x3d: {  	_ =	swait.ge [sflag:s20], $0x4000  }
0x3e: {  	[sflag:s20] =	ssyncset.done $0x0  }
0x3f: {  	[sflag:s20] =	ssyncadd.s32 $0xFFFFC000  }
0x40: {  	s21 =	sadd.s32 $0x1, s21  }
0x41: {  	p0 =	sne.s32 s21, s9  }
.Ltmp2:
0x42: {  	_ = 	snop;
	(pc) =	sbr.rel @p0 .LBB2_1-.Ltmp2, $1  }
0x43: {  	_ =	sdelay $0x3  }
0x44: {  	_ =	sfence.sel $0x180000  }
0x45: {  	[bflag:$0x0] =	sbarrier.arrive $0xFFFF  }
0x46: {  	p0 =	sne.s32 s2, $0x0;
	_ =	strace $0x90000047  }
0x47: {  	s0 =	sadd.s32 @!p0 $0x100000, s0;
	[bflag:$0x2] =	sbarrier.arrive $0xFFFF  }
0x48: {  	[sflag:s0] =	ssyncadd.tile.s32 @!p0 $0x1;
	_ =	shalt  }
.Lfunc_end2:
_tile_overlayer_lowered:
.L_overlay_start_2:
0x49: {  	(tag) =	ssettag $0x2  }
0x4a: {  	s0 =	rddreg [dreg:$0x0];
	s2 =	stileid.u32  }
0x4b: {  	s1 =	rddreg [dreg:$0x1];
	p0 =	sne.s32 s2, $0x0  }
0x4c: {  	s3 =	rddreg [dreg:$0x2];
	[bflag:$0x3] =	sbarrier.arrive $0xFFFF;
	s2 =	simm.s32 @!p0 $0x1C05  }
0x4d: {  	[timem:s3], [sflag:s2] =	dma.local @!p0 [hbm:s0], s1  }
0x4e: {  	s0 =	simm.s32 @!p0 $0x5  }
0x4f: {  	_ =	swait.ge @!p0 [sflag:s0], s1  }
0x50: {  	s1 =	ssub.s32 @!p0 $0x0, s1;
	[sflag:s0] =	ssyncset.done @!p0 $0x0  }
0x51: {  	[sflag:s0] =	ssyncadd.s32 @!p0 s1  }
0x52: {  	[bflag:$0x3] =	sbarrier.arrive $0xFFFF  }
0x53: {  	_ =	shalt  }

// kernel: sparse-core-data-format-call.1.cloned.1.call-start
scs
called_computation.1_lowered:
.L_overlay_start_0:
0x0: {  	s2 =	sld [smem:$0x3FD9]  }
0x1: {  	s3 =	sld [smem:$0x3FFE];
	_ =	sdelay $0x1  }
0x2: {  	s1 =	srdreg.scid  }
0x3: {  	s0 =	sand.u32 $0x1, s1  }
0x4: {  	s18 =	sshll.u32 s0, $0xA;
	s2 =	sadd.s32 s3, s2  }
0x5: {  	s2 =	sadd.s32 s2, s18  }
0x6: {  	[smem:$0x3FC5] =	sst s2  }
0x7: {  	_ = 	snop  }
0x8: {  	(tm) =	ssettm $0x1  }
0x9: {  	s19 =	sld [smem:$0x3FFB];
	_ =	sdelay $0x3  }
0xa: {  	_ =	strace s19  }
0xb: {  	s2 =	sld [smem:$0x3FFC];
	_ =	sdelay $0x3  }
0xc: {  	_ =	strace s2  }
0xd: {  	s2 =	sld [smem:$0x3FFD];
	_ =	sdelay $0x3  }
0xe: {  	_ =	strace s2  }
0xf: {  	_ =	strace $0x8FFFFFFF  }
0x10: {  	s20 =	sld [smem:$0x3FDB];
	_ =	sdelay $0x1  }
0x11: {  	s21 =	simm.s32 $_scs_section_size  }
0x12: {  	s4 =	simm.s32 $_size__tile_overlayer_lowered;
	s5 =	simm.s32 $_tile_overlayer_lowered  }
0x13: {  	s6 =	simm.s32 $0x1BFF;
	s22 =	sshll.u32 s5, $0x1;
	s3 =	sadd.s32 s21, s20  }
0x14: {  	s23 =	simm.s32 $0x0;
	s4 =	sshll.u32 s4, $0x1;
	s5 =	sadd.s32 s22, s3  }
0x15: {  	[timem:s23], [sflag:s6] =	dma.local [hbm:s5], s4  }
0x16: {  	_ =	swait.ge [sflag:s6], s4  }
0x17: {  	s4 =	ssub.s32 $0x0, s4;
	[sflag:s6] =	ssyncset.done $0x0  }
0x18: {  	[sflag:s6] =	ssyncadd.s32 s4;
	_ =	sdelay $0x1  }
0x19: {  	s24 =	simm.s32 $0x1B8B  }
0x1a: {  	_ =	swait.ge [sflag:s24], $0x1  }
0x1b: {  	[sflag:s24] =	ssyncset.done $0x0  }
0x1c: {  	[sflag:s24] =	ssyncadd.s32 $0xFFFFFFFF  }
0x1d: {  	s4 =	sld [smem:$0x0]  }
0x1e: {  	s5 =	sand.u32 $0xFFFFFFFE, s1  }
0x1f: {  	p0 =	sne.s32 s1, s5  }
0x20: {  	s5 =	sshll.u32 @p0 s5, $0xE  }
0x21: {  	s5 =	sadd.s32 @p0 $0x11B8D, s5;
	s6 =	sshll.u32 @p0 s4, $0x11  }
0x22: {  	s5 =	sor.u32 @p0 s6, s5  }
0x23: {  	[sflag:s5] =	ssyncadd.remote.s32 @p0 $0x1;
	_ =	sdelay $0x1  }
0x24: {  	s5 =	simm.s32 @p0 $0x1B8D  }
0x25: {  	_ =	swait.eq @p0 [sflag:s5], $0x1  }
0x26: {  	[sflag:s5] =	ssyncadd.s32 @p0 $0xFFFFFFFF  }
0x27: {  	s6 =	sshll.u32 @!p0 s1, $0xE  }
0x28: {  	s6 =	sor.u32 @!p0 $0x4000, s6;
	s5 =	simm.s32 @!p0 $0x1B8D  }
0x29: {  	s4 =	sshll.u32 @!p0 s4, $0x11;
	s6 =	sadd.s32 @!p0 $0x11B8D, s6;
	_ =	swait.eq @!p0 [sflag:s5], $0x1  }
0x2a: {  	s4 =	sor.u32 @!p0 s4, s6;
	[sflag:s5] =	ssyncadd.s32 @!p0 $0xFFFFFFFF  }
0x2b: {  	s26 =	simm.s32 $0x1B8E;
	s25 =	sld [smem:$0x3FFE];
	[sflag:s4] =	ssyncadd.remote.s32 @!p0 $0x1  }
0x2c: {  	s27 =	simm.s32 $execute0_lowered;
	[smem:$0x3FD2] =	sst s26  }
0x2d: {  	s5 =	sshll.u32 s27, $0x1;
	_ =	strace $0x80000049;
	[dreg:$0x1] =	wrdreg $0xFFFFFFFF  }
0x2e: {  	s28 =	simm.s32 $_size_execute0_lowered;
	s3 =	sadd.s32 s3, s5;
	[dreg:$0x0] =	wrdreg $0x0  }
0x2f: {  	s5 =	sshll.u32 s28, $0x1;
	[dreg:$0x2] =	wrdreg s3  }
0x30: {  	[dreg:$0x3] =	wrdreg s5  }
0x31: {  	[dreg:$0x4] =	wrdreg $0xC0  }
0x32: {  	_ =	task [dreg:s23], $0x5FFFF  }
0x33: {  	[dreg:$0x1] =	wrdreg $0xFFFFFFFF  }
0x34: {  	[dreg:$0x0] =	wrdreg $0x60  }
0x35: {  	[dreg:$0x2] =	wrdreg s25  }
0x36: {  	[dreg:$0x3] =	wrdreg $0x9  }
0x37: {  	_ =	task.clear_ibuf [dreg:s23], $0x4FFFF;
	_ =	strace $0x90000049  }
0x38: {  	s29 =	simm.s32 $0x9;
	_ =	strace $0x8000004B  }
0x39: {  	_ =	swait.ge [sflag:s29], $0x1  }
0x3a: {  	[sflag:s29] =	ssyncadd.s32 $0xFFFFFFFF  }
0x3b: {  	_ =	strace $0x9000004B  }
0x3c: {  	_ =	sfence  }
0x3d: {  	s30 =	sld [smem:$0x0];
	_ =	sdelay $0x2  }
0x3e: {  	s31 =	sshll.u32 s1, $0xD;
	s1 =	sshrl.u32 s1, $0x2  }
0x3f: {  	s4 =	sand.u32 $0x4000, s31;
	s1 =	sadd.s32 s1, s30  }
0x40: {  	s0 =	sor.u32 s4, s0;
	s1 =	sshll.u32 s1, $0x11  }
0x41: {  	s0 =	sor.u32 s1, s0  }
0x42: {  	s0 =	sadd.s32 $0x8F2B, s0  }
0x43: {  	[sflag:s0] =	ssyncadd.remote.s32 $0x1  }
0x44: {  	_ =	sfence.sel $0xFFFF  }
0x45: {  	[dreg:$0x0] =	wrdreg $0xFFFFFFFF;
	(pc) =	sbr.abs _section_cstart, $3  }
0x46: {  	[dreg:$0x1] =	wrdreg $0xFFFFFFFF  }
0x47: {  	_ =	task.clear_ibuf [dreg:s23], $0x2FFFF;
	_ =	strace $0x9FFFFFFF  }
0x48: {  	(tm) =	ssettm $0x7FFFFFFF  }
0x49: {  	_ =	shalt  }
tec
execute0_lowered:
.L_overlay_start_1:
0x0: {  	(tag) =	ssettag $0x1  }
0x1: {  	s0 =	srdreg.scid;
	s6 =	rddreg [dreg:$0x0]  }
0x2: {  	s7 =	simm.s32 $0x2;
	s12 =	simm.s32 $0x0;
	s1 =	sshll.u32 s0, $0x4  }
0x3: {  	p0 =	por $0x0, $0x0;
	s0 =	stileid.u32;
	s1 =	sand.u32 $0x10, s1  }
0x4: {  	s8 =	simm.s32 $0x1C000;
	s13 =	simm.s32 $0x0;
	s2 =	sor.u32 s0, s1  }
.Ltmp0:
0x5: {  	s10 =	simm.s32 $0x0;
	s3 =	ssub.s32 $0xE7, s2;
	(pc) =	sbr.rel .LBB1_1-.Ltmp0, $4  }
0x6: {  	s11 =	simm.s32 $0x0;
	s1 =	rddreg [dreg:$0x1];
	s4 =	sshrl.u32 s3, $0x5  }
0x7: {  	_ =	strace $0x8000004A;
	s3 =	simm.s32 $0x1;
	s4 =	smul.u32 $0x70, s4  }
0x8: {  	s5 =	sadd.s32 $0x32F400, s6;
	s6 =	sadd.s32 $0x2EEF400, s6;
	[sflag:s3] =	ssyncpa.u1 $0x0  }
0x9: {  	s9 =	smov.u32 s2;
	[sflag:s7] =	ssyncpa.u1 $0x0;
	s7 =	sor.u32 $0x1, s4  }
.LBB1_4:
0xa: {  	s16 =	sshll.u32 s13, $0x3  }
0xb: {  	s17 =	sshrl.u32 s16, $0xB  }
0xc: {  	s17 =	smulhi.u32 $0x24924925, s17;
	_ =	sdelay $0x1  }
0xd: {  	s27 =	sand.u32 $0x7F, s13;
	s16 =	sand.u32 $0xFFFFFC00, s16;
	s18 =	smul.u32 $0x3800, s17  }
0xe: {  	s12 =	smul.u32 $0x1C000, s12;
	s13 =	sor.u32 s27, s16;
	s28 =	sand.u32 $0x3F, s17  }
0xf: {  	s16 =	smul.u32 $0x700, s28;
	s13 =	ssub.s32 s13, s18  }
0x10: {  	[tilespmem:s15+$0x810 ss:$0x81] =	vst.msk $0xffff, v2;
	s12 =	sadd.s32 s6, s12;
	s29 =	sand.u32 $0x7, s13  }
0x11: {  	[tilespmem:s15+$0x1020 ss:$0x81] =	vst.msk $0xffff, v0;
	s12 =	sadd.s32 s16, s12;
	s13 =	sshrl.u32 s13, $0x3;
	s30 =	sshll.u32 s29, $0x12  }
0x12: {  	[tilespmem:s15+$0x0 ss:$0x81] =	vst.msk $0xffff, v1;
	s12 =	sadd.s32 s13, s12;
	s31 =	sor.u32 $0x400, s30  }
0x13: {  	[hbm4b:s12+s31] =	stream.strided.scatter [tilespmem:s14], [sflag:$0x2], $0x2000, s8, s31, $0x20;
	[tilespmem:$0x8080] =	vst v63  }
.LBB1_5:
0x14: {  	s14 =	sadd.s32 $0x20, s9  }
0x15: {  	s12 =	sadd.s32 $0x80, s10;
	s16 =	smov.u32 s10;
	p2 =	sgt.s32 s14, $0xC7  }
0x16: {  	s16 =	smov.u32 @p2 s12  }
0x17: {  	s14 =	smov.u32 @p2 s2;
	p2 =	sgt.s32 s16, $0x37FF  }
0x18: {  	s16 =	simm.s32 @p2 $0x0;
	p2 =	sne.s32 s11, s7  }
.Ltmp1:
0x19: {  	p1 =	slt.u32 s11, $0x2;
	(pc) =	sbr.rel @!p2 .LBB1_6-.Ltmp1, $4  }
0x1a: {  	s15 =	simm.s32 @!p1 $0x2  }
0x1b: {  	s13 =	smov.u32 s10;
	p0 =	por !p0, !p0;
	_ =	swait.ge @!p1 [sflag:s15], $0x2000  }
0x1c: {  	s12 =	smov.u32 s9;
	[sflag:s15] =	ssyncset.done @!p1 $0x0;
	s9 =	smov.u32 s14  }
0x1d: {  	s11 =	sadd.s32 $0x1, s11;
	[sflag:s15] =	ssyncadd.s32 @!p1 $0xFFFFE000;
	s10 =	smov.u32 s16  }
.LBB1_1:
0x1e: {  	p1 =	sge.u32 s11, s4  }
0x1f: {  	s14 =	sand.u32 @!p1 $0x1FFFFFF, s9  }
0x20: {  	s15 =	smulhi.u32 @!p1 $0x147AE15, s14;
	_ =	sdelay $0x1  }
0x21: {  	s15 =	smul.u32 @!p1 $0xC8, s15  }
0x22: {  	s16 =	sxor.u32 @!p1 $0xFFFFFFFF, s11;
	s17 =	smul.u32 @!p1 $0xC80, s10  }
0x23: {  	s31 =	sadd.s32 $0xFFFFFFFF, s11;
	s16 =	sshll.u32 @!p1 s16, $0xD;
	s14 =	ssub.s32 @!p1 s14, s15  }
0x24: {  	s15 =	sand.u32 @!p1 $0x2000, s16;
	s16 =	sadd.s32 @!p1 s5, s17;
	s14 =	sshll.u32 @!p1 s14, $0x4  }
0x25: {  	s17 =	simm.s32 @!p1 $0x6400;
	s14 =	sadd.s32 @!p1 s14, s16;
	s16 =	simm.s32 @!p1 $0x40  }
0x26: {  	[tilespmem:s15], [sflag:$0x1] =	stream.strided.gather @!p1 [hbm4b:s14+s16], $0x2000, s17, s16, $0x38;
	[tilespmem:$0x8080] =	vst v63  }
0x27: {  	p1 =	sge.u32 s31, s4  }
.Ltmp2:
0x28: {  	_ = 	snop;
	(pc) =	sbr.rel @p1 .LBB1_5-.Ltmp2, $1  }
0x29: {  	_ =	sdelay $0x3  }
0x2a: {  	s14 =	simm.s32 $0x1  }
0x2b: {  	_ =	swait.ge [sflag:s3], $0x2000;
	s14 =	simm.s32 @!p0 $0x0  }
0x2c: {  	[sflag:s3] =	ssyncset.done $0x0;
	s15 =	sshll.u32 s14, $0xD  }
0x2d: {  	[sflag:s3] =	ssyncadd.s32 $0xFFFFE000;
	s18 =	sor.u32 $0x20, s15  }
0x2e: {  	s14 =	smul.u32 $0x8100, s14;
	v3 =	vld [tilespmem:s18+$0x10]  }
0x2f: {  	s30 =	sand.u32 $0x1, s11;
	v2 =	vld [tilespmem:s18+$0xFFFFFFF0]  }
0x30: {  	s15 =	smul.u32 $0x8100, s30;
	s14 =	sshrl.u32 s14, $0x2;
	v0 =	vld [tilespmem:s18+$0x0]  }
0x31: {  	v1 =	vld [tilespmem:s18+$0xFFFFFFE0];
	s16 =	sor.u32 $0x4000, s14  }
0x32: {  	s31 =	sshrl.u32 s15, $0x2;
	s15 =	sadd.s32 $0x0, s16  }
0x33: {  	s17 =	simm.s32 $0x4;
	s18 =	sadd.s32 $0x40, s18;
	s14 =	sor.u32 $0x4000, s31;
	[tilespmem:s15+$0x1830 ss:$0x81] =	vst.msk $0xffff, v3  }
.LBB1_3:
0x34: {  	v3 =	vld [tilespmem:s18+$0x10];
	p1 =	sne.s32 s17, $0x1FC;
	[tilespmem:s15+$0x810 ss:$0x81] =	vst.msk $0xffff, v2;
	s19 =	smov.u32 s17;
	s17 =	sadd.s32 $0x4, s17  }
.Ltmp3:
0x35: {  	v2 =	vld [tilespmem:s18+$0xFFFFFFF0];
	[tilespmem:s15+$0x1020 ss:$0x81] =	vst.msk $0xffff, v0;
	(pc) =	sbr.rel @p1 .LBB1_3-.Ltmp3, $4  }
0x36: {  	v0 =	vld [tilespmem:s18+$0x0];
	[tilespmem:s15+$0x0 ss:$0x81] =	vst.msk $0xffff, v1  }
0x37: {  	s15 =	sshra.s32 s19, $0x2;
	v1 =	vld [tilespmem:s18+$0xFFFFFFE0]  }
0x38: {  	s15 =	sadd.s32 s15, s16  }
0x39: {  	s18 =	sadd.s32 $0x40, s18;
	[tilespmem:s15+$0x1830 ss:$0x81] =	vst.msk $0xffff, v3  }
.Ltmp4:
0x3a: {  	_ = 	snop;
	(pc) =	sbr.rel .LBB1_4-.Ltmp4, $1  }
0x3b: {  	_ =	sdelay $0x3  }
.LBB1_6:
0x3c: {  	_ =	sfence.sel $0x180000  }
0x3d: {  	s2 =	simm.s32 $0x1;
	[bflag:$0x0] =	sbarrier.arrive $0xFFFF  }
0x3e: {  	s31 =	simm.s32 $0x2;
	[sflag:s2] =	ssyncpa.u1 $0x1  }
0x3f: {  	[sflag:s31] =	ssyncpa.u1 $0x1  }
0x40: {  	p0 =	sne.s32 s0, $0x0;
	_ =	strace $0x9000004A  }
0x41: {  	s0 =	sadd.s32 @!p0 $0x100000, s1;
	[bflag:$0x2] =	sbarrier.arrive $0xFFFF  }
0x42: {  	[sflag:s0] =	ssyncadd.tile.s32 @!p0 $0x1;
	_ =	shalt  }
.Lfunc_end1:
_tile_overlayer_lowered:
.L_overlay_start_2:
0x43: {  	(tag) =	ssettag $0x2  }
0x44: {  	s0 =	rddreg [dreg:$0x0];
	s2 =	stileid.u32  }
0x45: {  	s1 =	rddreg [dreg:$0x1];
	p0 =	sne.s32 s2, $0x0  }
0x46: {  	s3 =	rddreg [dreg:$0x2];
	[bflag:$0x3] =	sbarrier.arrive $0xFFFF;
	s2 =	simm.s32 @!p0 $0x1C01  }
0x47: {  	[timem:s3], [sflag:s2] =	dma.local @!p0 [hbm:s0], s1  }
0x48: {  	s0 =	simm.s32 @!p0 $0x1  }
0x49: {  	_ =	swait.ge @!p0 [sflag:s0], s1  }
0x4a: {  	s1 =	ssub.s32 @!p0 $0x0, s1;
	[sflag:s0] =	ssyncset.done @!p0 $0x0  }
0x4b: {  	[sflag:s0] =	ssyncadd.s32 @!p0 s1  }
0x4c: {  	[bflag:$0x3] =	sbarrier.arrive $0xFFFF  }
0x4d: {  	_ =	shalt  }

// kernel: sparse-core-data-format-call.cloned.1.call-start
scs
called_computation_lowered:
.L_overlay_start_0:
0x0: {  	s2 =	sld [smem:$0x3FD9]  }
0x1: {  	s3 =	sld [smem:$0x3FFE];
	_ =	sdelay $0x1  }
0x2: {  	s1 =	srdreg.scid  }
0x3: {  	s0 =	sand.u32 $0x1, s1  }
0x4: {  	s18 =	sshll.u32 s0, $0xA;
	s2 =	sadd.s32 s3, s2  }
0x5: {  	s2 =	sadd.s32 s2, s18  }
0x6: {  	[smem:$0x3FC5] =	sst s2  }
0x7: {  	_ = 	snop  }
0x8: {  	s19 =	sld [smem:$0x3FD0];
	(tm) =	ssettm $0x1  }
0x9: {  	s20 =	sld [smem:$0x3FFB];
	_ =	sdelay $0x3  }
0xa: {  	_ =	strace s20  }
0xb: {  	s2 =	sld [smem:$0x3FFC];
	_ =	sdelay $0x3  }
0xc: {  	_ =	strace s2  }
0xd: {  	s2 =	sld [smem:$0x3FFD];
	_ =	sdelay $0x3  }
0xe: {  	_ =	strace s2  }
0xf: {  	_ =	strace $0x8FFFFFFF  }
0x10: {  	s21 =	sld [smem:$0x3FDB];
	_ =	sdelay $0x1  }
0x11: {  	s4 =	simm.s32 $_scs_section_size  }
0x12: {  	s5 =	simm.s32 $_size__tile_overlayer_lowered;
	s6 =	simm.s32 $_tile_overlayer_lowered  }
0x13: {  	s7 =	simm.s32 $0x1BFF;
	s22 =	sshll.u32 s6, $0x1;
	s4 =	sadd.s32 s4, s21  }
0x14: {  	s23 =	simm.s32 $0x0;
	s5 =	sshll.u32 s5, $0x1;
	s6 =	sadd.s32 s22, s4  }
0x15: {  	[timem:s23], [sflag:s7] =	dma.local [hbm:s6], s5  }
0x16: {  	_ =	swait.ge [sflag:s7], s5  }
0x17: {  	s5 =	ssub.s32 $0x0, s5;
	[sflag:s7] =	ssyncset.done $0x0  }
0x18: {  	[sflag:s7] =	ssyncadd.s32 s5;
	_ =	sdelay $0x1  }
0x19: {  	s24 =	simm.s32 $0x1B8B  }
0x1a: {  	_ =	swait.ge [sflag:s24], $0x1  }
0x1b: {  	[sflag:s24] =	ssyncset.done $0x0  }
0x1c: {  	[sflag:s24] =	ssyncadd.s32 $0xFFFFFFFF  }
0x1d: {  	s5 =	sld [smem:$0x0]  }
0x1e: {  	s6 =	sand.u32 $0xFFFFFFFE, s1  }
0x1f: {  	p0 =	sne.s32 s1, s6  }
0x20: {  	s6 =	sshll.u32 @p0 s6, $0xE  }
0x21: {  	s6 =	sadd.s32 @p0 $0x11B8D, s6;
	s7 =	sshll.u32 @p0 s5, $0x11  }
0x22: {  	s6 =	sor.u32 @p0 s7, s6  }
0x23: {  	[sflag:s6] =	ssyncadd.remote.s32 @p0 $0x1;
	_ =	sdelay $0x1  }
0x24: {  	s6 =	simm.s32 @p0 $0x1B8D  }
0x25: {  	_ =	swait.eq @p0 [sflag:s6], $0x1  }
0x26: {  	[sflag:s6] =	ssyncadd.s32 @p0 $0xFFFFFFFF  }
0x27: {  	s7 =	sshll.u32 @!p0 s1, $0xE  }
0x28: {  	s7 =	sor.u32 @!p0 $0x4000, s7;
	s6 =	simm.s32 @!p0 $0x1B8D  }
0x29: {  	s5 =	sshll.u32 @!p0 s5, $0x11;
	s7 =	sadd.s32 @!p0 $0x11B8D, s7;
	_ =	swait.eq @!p0 [sflag:s6], $0x1  }
0x2a: {  	s5 =	sor.u32 @!p0 s5, s7;
	[sflag:s6] =	ssyncadd.s32 @!p0 $0xFFFFFFFF  }
0x2b: {  	s26 =	simm.s32 $0x1B8E;
	s25 =	sld [smem:$0x3FFE];
	[sflag:s5] =	ssyncadd.remote.s32 @!p0 $0x1  }
0x2c: {  	s27 =	simm.s32 $execute0_lowered;
	[smem:$0x3FD2] =	sst s26  }
0x2d: {  	s6 =	sshll.u32 s27, $0x1;
	_ =	strace $0x8000004C;
	[dreg:$0x1] =	wrdreg $0xFFFFFFFF  }
0x2e: {  	s28 =	simm.s32 $_size_execute0_lowered;
	s4 =	sadd.s32 s4, s6;
	[dreg:$0x0] =	wrdreg $0x0  }
0x2f: {  	s6 =	sshll.u32 s28, $0x1;
	[dreg:$0x2] =	wrdreg s4  }
0x30: {  	[dreg:$0x3] =	wrdreg s6  }
0x31: {  	[dreg:$0x4] =	wrdreg $0xC0  }
0x32: {  	_ =	task [dreg:s23], $0x5FFFF  }
0x33: {  	[dreg:$0x1] =	wrdreg $0xFFFFFFFF  }
0x34: {  	[dreg:$0x0] =	wrdreg $0x60  }
0x35: {  	[dreg:$0x2] =	wrdreg s19  }
0x36: {  	[dreg:$0x3] =	wrdreg s25  }
0x37: {  	[dreg:$0x4] =	wrdreg $0xA  }
0x38: {  	_ =	task.clear_ibuf [dreg:s23], $0x5FFFF;
	_ =	strace $0x9000004C  }
0x39: {  	s29 =	simm.s32 $0xA;
	_ =	strace $0x8000004E  }
0x3a: {  	_ =	swait.ge [sflag:s29], $0x1  }
0x3b: {  	[sflag:s29] =	ssyncadd.s32 $0xFFFFFFFF  }
0x3c: {  	_ =	strace $0x9000004E  }
0x3d: {  	_ =	sfence  }
0x3e: {  	s30 =	sld [smem:$0x0];
	_ =	sdelay $0x2  }
0x3f: {  	s31 =	sshll.u32 s1, $0xD;
	s1 =	sshrl.u32 s1, $0x2  }
0x40: {  	s4 =	sand.u32 $0x4000, s31;
	s1 =	sadd.s32 s1, s30  }
0x41: {  	s0 =	sor.u32 s4, s0;
	s1 =	sshll.u32 s1, $0x11  }
0x42: {  	s0 =	sor.u32 s1, s0  }
0x43: {  	s0 =	sadd.s32 $0x8F2B, s0  }
0x44: {  	[sflag:s0] =	ssyncadd.remote.s32 $0x1  }
0x45: {  	_ =	sfence.sel $0xFFFF  }
0x46: {  	[dreg:$0x0] =	wrdreg $0xFFFFFFFF;
	(pc) =	sbr.abs _section_cstart, $3  }
0x47: {  	[dreg:$0x1] =	wrdreg $0xFFFFFFFF  }
0x48: {  	_ =	task.clear_ibuf [dreg:s23], $0x2FFFF;
	_ =	strace $0x9FFFFFFF  }
0x49: {  	(tm) =	ssettm $0x7FFFFFFF  }
tec
execute0_lowered:
.L_overlay_start_1:
0x0: {  	(tag) =	ssettag $0x1  }
0x1: {  	s2 =	rddreg [dreg:$0x0]  }
0x2: {  	s0 =	stileid.u32;
	s7 =	rddreg [dreg:$0x1]  }
0x3: {  	s1 =	rddreg [dreg:$0x2];
	s4 =	srdreg.scid;
	_ =	strace $0x8000004D  }
0x4: {  	s31 =	simm.s32 $0x2;
	s13 =	simm.s32 $0x0;
	s3 =	sshll.u32 s0, $0x7  }
0x5: {  	s14 =	simm.s32 $0x0;
	s4 =	sand.u32 $0x1, s4;
	s5 =	ssub.s32 $0x800, s3  }
0x6: {  	s12 =	simm.s32 $0x0;
	s8 =	ssub.s32 $0xC8, s4;
	s6 =	sand.u32 $0x780, s5  }
0x7: {  	s9 =	sshrl.u32 s5, $0xB;
	p0 =	sne.s32 s6, $0x0;
	s6 =	simm.s32 $0x1  }
.Ltmp0:
0x8: {  	s10 =	sshrl.u32 s8, $0x1;
	s6 =	simm.s32 @!p0 $0x0;
	(pc) =	sbr.rel .LBB1_1-.Ltmp0, $4  }
0x9: {  	s5 =	simm.s32 $0x1;
	s8 =	ssub.s32 s8, s10;
	s6 =	sadd.s32 s6, s9  }
0xa: {  	s7 =	sadd.s32 $0x2800, s7;
	[sflag:s5] =	ssyncpa.u1 $0x0;
	s6 =	smul.u32 s8, s6  }
0xb: {  	s11 =	smov.u32 s3;
	s10 =	smov.u32 s4;
	[sflag:s31] =	ssyncpa.u1 $0x0  }
0xc: {  	p0 =	por $0x0, $0x0;
	s9 =	simm.s32 $0x4000;
	s8 =	sadd.s32 $0x1, s6  }
.LBB1_4:
0xd: {  	s17 =	sshll.u32 s14, $0x3;
	s18 =	sand.u32 $0x78, s14  }
0xe: {  	s30 =	sand.u32 $0x3F00, s14;
	s13 =	sshll.u32 s13, $0xE;
	s17 =	sand.u32 $0x400, s17  }
0xf: {  	[tilespmem:s16+$0x810 ss:$0x81] =	vst.msk $0xffff, v2;
	s31 =	sand.u32 $0x7, s14;
	s17 =	sor.u32 s18, s17;
	s18 =	sadd.s32 s7, s30  }
0x10: {  	[tilespmem:s16+$0x1020 ss:$0x81] =	vst.msk $0xffff, v0;
	s14 =	sshll.u32 s31, $0x12;
	s13 =	sadd.s32 s13, s18;
	s17 =	sshrl.u32 s17, $0x3  }
0x11: {  	[tilespmem:s16+$0x0 ss:$0x81] =	vst.msk $0xffff, v1;
	s14 =	sor.u32 $0x400, s14;
	s13 =	sadd.s32 s17, s13  }
0x12: {  	[hbm4b:s13+s14] =	stream.strided.scatter [tilespmem:s15], [sflag:$0x2], $0x2000, s9, s14, $0x20;
	[tilespmem:$0x8080] =	vst v63  }
.LBB1_5:
0x13: {  	s15 =	sadd.s32 $0x2, s10  }
0x14: {  	s13 =	sadd.s32 $0x800, s11;
	s17 =	smov.u32 s11;
	p2 =	sgt.s32 s15, $0xC7  }
0x15: {  	s17 =	smov.u32 @p2 s13  }
0x16: {  	s15 =	smov.u32 @p2 s4;
	p2 =	sgt.s32 s17, $0x7FF  }
0x17: {  	s17 =	smov.u32 @p2 s3;
	p2 =	sne.s32 s12, s8  }
.Ltmp1:
0x18: {  	p1 =	slt.u32 s12, $0x2;
	(pc) =	sbr.rel @!p2 .LBB1_6-.Ltmp1, $4  }
0x19: {  	s16 =	simm.s32 @!p1 $0x2  }
0x1a: {  	s14 =	smov.u32 s11;
	p0 =	por !p0, !p0;
	_ =	swait.ge @!p1 [sflag:s16], $0x2000  }
0x1b: {  	s13 =	smov.u32 s10;
	[sflag:s16] =	ssyncset.done @!p1 $0x0;
	s10 =	smov.u32 s15  }
0x1c: {  	s12 =	sadd.s32 $0x1, s12;
	[sflag:s16] =	ssyncadd.s32 @!p1 $0xFFFFE000;
	s11 =	smov.u32 s17  }
.LBB1_1:
0x1d: {  	p1 =	sge.u32 s12, s6  }
0x1e: {  	s15 =	sand.u32 @!p1 $0x1FFFFFF, s10  }
0x1f: {  	s16 =	smulhi.u32 @!p1 $0x147AE15, s15;
	_ =	sdelay $0x1  }
0x20: {  	s16 =	smul.u32 @!p1 $0xC8, s16  }
0x21: {  	s17 =	sxor.u32 @!p1 $0xFFFFFFFF, s12;
	s18 =	smul.u32 @!p1 $0xC80, s11  }
0x22: {  	s31 =	sadd.s32 $0xFFFFFFFF, s12;
	s17 =	sshll.u32 @!p1 s17, $0xD;
	s15 =	ssub.s32 @!p1 s15, s16  }
0x23: {  	s16 =	sand.u32 @!p1 $0x2000, s17;
	s17 =	sadd.s32 @!p1 s2, s18;
	s15 =	sshll.u32 @!p1 s15, $0x4  }
0x24: {  	s18 =	simm.s32 @!p1 $0x6400;
	s15 =	sadd.s32 @!p1 s15, s17;
	s17 =	simm.s32 @!p1 $0x40  }
0x25: {  	[tilespmem:s16], [sflag:$0x1] =	stream.strided.gather @!p1 [hbm4b:s15+s17], $0x2000, s18, s17, $0x38;
	[tilespmem:$0x8080] =	vst v63  }
0x26: {  	p1 =	sge.u32 s31, s6  }
.Ltmp2:
0x27: {  	_ = 	snop;
	(pc) =	sbr.rel @p1 .LBB1_5-.Ltmp2, $1  }
0x28: {  	_ =	sdelay $0x3  }
0x29: {  	s15 =	simm.s32 $0x1  }
0x2a: {  	_ =	swait.ge [sflag:s5], $0x2000;
	s15 =	simm.s32 @!p0 $0x0  }
0x2b: {  	[sflag:s5] =	ssyncset.done $0x0;
	s16 =	sshll.u32 s15, $0xD  }
0x2c: {  	[sflag:s5] =	ssyncadd.s32 $0xFFFFE000;
	s19 =	sor.u32 $0x20, s16  }
0x2d: {  	s15 =	smul.u32 $0x8100, s15;
	v3 =	vld [tilespmem:s19+$0x10]  }
0x2e: {  	s30 =	sand.u32 $0x1, s12;
	v2 =	vld [tilespmem:s19+$0xFFFFFFF0]  }
0x2f: {  	s16 =	smul.u32 $0x8100, s30;
	s15 =	sshrl.u32 s15, $0x2;
	v0 =	vld [tilespmem:s19+$0x0]  }
0x30: {  	v1 =	vld [tilespmem:s19+$0xFFFFFFE0];
	s17 =	sor.u32 $0x4000, s15  }
0x31: {  	s31 =	sshrl.u32 s16, $0x2;
	s16 =	sadd.s32 $0x0, s17  }
0x32: {  	s18 =	simm.s32 $0x4;
	s19 =	sadd.s32 $0x40, s19;
	s15 =	sor.u32 $0x4000, s31;
	[tilespmem:s16+$0x1830 ss:$0x81] =	vst.msk $0xffff, v3  }
.LBB1_3:
0x33: {  	v3 =	vld [tilespmem:s19+$0x10];
	p1 =	sne.s32 s18, $0x1FC;
	[tilespmem:s16+$0x810 ss:$0x81] =	vst.msk $0xffff, v2;
	s20 =	smov.u32 s18;
	s18 =	sadd.s32 $0x4, s18  }
.Ltmp3:
0x34: {  	v2 =	vld [tilespmem:s19+$0xFFFFFFF0];
	[tilespmem:s16+$0x1020 ss:$0x81] =	vst.msk $0xffff, v0;
	(pc) =	sbr.rel @p1 .LBB1_3-.Ltmp3, $4  }
0x35: {  	v0 =	vld [tilespmem:s19+$0x0];
	[tilespmem:s16+$0x0 ss:$0x81] =	vst.msk $0xffff, v1  }
0x36: {  	s16 =	sshra.s32 s20, $0x2;
	v1 =	vld [tilespmem:s19+$0xFFFFFFE0]  }
0x37: {  	s16 =	sadd.s32 s16, s17  }
0x38: {  	s19 =	sadd.s32 $0x40, s19;
	[tilespmem:s16+$0x1830 ss:$0x81] =	vst.msk $0xffff, v3  }
.Ltmp4:
0x39: {  	_ = 	snop;
	(pc) =	sbr.rel .LBB1_4-.Ltmp4, $1  }
0x3a: {  	_ =	sdelay $0x3  }
.LBB1_6:
0x3b: {  	_ =	sfence.sel $0x180000  }
0x3c: {  	s2 =	simm.s32 $0x1;
	[bflag:$0x0] =	sbarrier.arrive $0xFFFF  }
0x3d: {  	s31 =	simm.s32 $0x2;
	[sflag:s2] =	ssyncpa.u1 $0x1  }
0x3e: {  	[sflag:s31] =	ssyncpa.u1 $0x1  }
0x3f: {  	p0 =	sne.s32 s0, $0x0;
	_ =	strace $0x9000004D  }
0x40: {  	s0 =	sadd.s32 @!p0 $0x100000, s1;
	[bflag:$0x2] =	sbarrier.arrive $0xFFFF  }
0x41: {  	[sflag:s0] =	ssyncadd.tile.s32 @!p0 $0x1;
	_ =	shalt  }
.Lfunc_end1:
_tile_overlayer_lowered:
.L_overlay_start_2:
0x42: {  	(tag) =	ssettag $0x2  }
0x43: {  	s0 =	rddreg [dreg:$0x0];
	s2 =	stileid.u32  }
0x44: {  	s1 =	rddreg [dreg:$0x1];
	p0 =	sne.s32 s2, $0x0  }
0x45: {  	s3 =	rddreg [dreg:$0x2];
	[bflag:$0x3] =	sbarrier.arrive $0xFFFF;
	s2 =	simm.s32 @!p0 $0x1C01  }
0x46: {  	[timem:s3], [sflag:s2] =	dma.local @!p0 [hbm:s0], s1  }
0x47: {  	s0 =	simm.s32 @!p0 $0x1  }
0x48: {  	_ =	swait.ge @!p0 [sflag:s0], s1  }
0x49: {  	s1 =	ssub.s32 @!p0 $0x0, s1;
	[sflag:s0] =	ssyncset.done @!p0 $0x0  }
0x4a: {  	[sflag:s0] =	ssyncadd.s32 @!p0 s1  }
0x4b: {  	[bflag:$0x3] =	sbarrier.arrive $0xFFFF  }
0x4c: {  	_ =	shalt  }

</sc_bundles>
